<compile_context>
chip_gen: v7x
topology: tpu7x:2x2x1
jax: 0.10.2.dev20260603
libtpu: 0.0.44.dev20260713+nightly
codegen_flags: <defaults>
</compile_context>

<pallas_src>
import functools

import jax
import jax.numpy as jnp
from jax import lax
from jax.experimental import pallas as pl
from jax.experimental.pallas import tpu as pltpu
from jax.experimental.pallas import tpu_sc as plsc

N = 10000
E = 160000
D_IN = 128
D_EDGE = 16
C = 16

NC = 2
NS = 16
NW = NC * NS

CH = 128
BPW = 5120
EP = NW * BPW
NCHUNK = BPW // CH
NA = 10240
RPT = NA // NS

BN = 2000
BE = 4096



def _lrelu(v):
    return jnp.where(v > 0, v, 0.01 * v)


def _node_body(x_ref, w_in_ref, b_in_ref, root_ref, conv_b_ref, h_ref, hr_ref):
    h = _lrelu(jnp.dot(x_ref[...], w_in_ref[...],
                       preferred_element_type=jnp.float32) + b_in_ref[...])
    h_ref[...] = h
    hr_ref[...] = jnp.dot(h, root_ref[...],
                          preferred_element_type=jnp.float32) + conv_b_ref[...]


def _node_stage(x, W_in, b_in, root, conv_b):
    grid = (N // BN,)
    return pl.pallas_call(
        _node_body,
        grid=grid,
        in_specs=[
            pl.BlockSpec((BN, D_IN), lambda i: (i, 0)),
            pl.BlockSpec((D_IN, C), lambda i: (0, 0)),
            pl.BlockSpec((1, C), lambda i: (0, 0)),
            pl.BlockSpec((C, C), lambda i: (0, 0)),
            pl.BlockSpec((1, C), lambda i: (0, 0)),
        ],
        out_specs=[
            pl.BlockSpec((BN, C), lambda i: (i, 0)),
            pl.BlockSpec((BN, C), lambda i: (i, 0)),
        ],
        out_shape=[
            jax.ShapeDtypeStruct((N, C), jnp.float32),
            jax.ShapeDtypeStruct((N, C), jnp.float32),
        ],
    )(x, W_in, b_in.reshape(1, C), root, conv_b.reshape(1, C))


def _gather_body(h_hbm, src_hbm, out_hbm, idx_v, rows_v, sem, sem_idx):
    cid = lax.axis_index("c")
    sid = lax.axis_index("s")
    wid = sid * NC + cid

    def idx_fire(it, carry):
        for i in range(4):
            j = it * 4 + i
            pltpu.async_copy(src_hbm.at[pl.ds(wid * BPW + j * CH, CH)],
                             idx_v.at[j], sem_idx)
        return carry

    lax.fori_loop(0, NCHUNK // 4, idx_fire, 0)

    def idx_drain(it, carry):
        for i in range(4):
            j = it * 4 + i
            pltpu.make_async_copy(src_hbm.at[pl.ds(wid * BPW + j * CH, CH)],
                                  idx_v.at[j], sem_idx).wait()
        return carry

    lax.fori_loop(0, NCHUNK // 4, idx_drain, 0)

    def fire(it, carry):
        for i in range(8):
            j = it * 8 + i
            pltpu.async_copy(
                h_hbm.at[idx_v.at[j]],
                rows_v.at[pl.ds(j * CH, CH)], sem)
        return carry

    lax.fori_loop(0, NCHUNK // 8, fire, 0)
    pltpu.make_async_copy(h_hbm.at[pl.ds(0, BPW)], rows_v, sem).wait()
    pltpu.sync_copy(rows_v, out_hbm.at[pl.ds(wid * BPW, BPW)])


PB = BE // 8
PW = 8 * C * C


def _edge_body(eap_ref, hsp_ref, wt_ref, bt_ref, et_ref, rt_ref, msgp_ref):
    z = jnp.dot(eap_ref[...], wt_ref[...],
                preferred_element_type=jnp.float32) + bt_ref[...]
    w = _lrelu(z)
    hrep = jnp.dot(hsp_ref[...], et_ref[...], preferred_element_type=jnp.float32)
    msgp_ref[...] = jnp.dot(w * hrep, rt_ref[...],
                            preferred_element_type=jnp.float32)


def _edge_stage(eap, hsp, Wt, bt, Et, Rt):
    grid = (EP // BE,)
    return pl.pallas_call(
        _edge_body,
        grid=grid,
        in_specs=[
            pl.BlockSpec((PB, 128), lambda i: (i, 0)),
            pl.BlockSpec((PB, 128), lambda i: (i, 0)),
            pl.BlockSpec((128, PW), lambda i: (0, 0)),
            pl.BlockSpec((1, PW), lambda i: (0, 0)),
            pl.BlockSpec((128, PW), lambda i: (0, 0)),
            pl.BlockSpec((PW, 128), lambda i: (0, 0)),
        ],
        out_specs=pl.BlockSpec((PB, 128), lambda i: (i, 0)),
        out_shape=jax.ShapeDtypeStruct((EP // 8, 128), jnp.float32),
    )(eap, hsp, Wt, bt, Et, Rt)


def _scatter_body(msg_hbm, dst_hbm, out_hbm, idx_v, msg_v, zero_v, aggr_sh, sem,
                  sem_idx):
    cid = lax.axis_index("c")
    sid = lax.axis_index("s")
    wid = sid * NC + cid

    def idx_fire(it, carry):
        for i in range(4):
            j = it * 4 + i
            pltpu.async_copy(dst_hbm.at[pl.ds(wid * BPW + j * CH, CH)],
                             idx_v.at[j], sem_idx)
        return carry

    lax.fori_loop(0, NCHUNK // 4, idx_fire, 0)
    pltpu.async_copy(msg_hbm.at[pl.ds(wid * BPW, BPW)], msg_v, sem)

    zv = jnp.zeros((C,), jnp.float32)

    def zbody(i, carry):
        for r in range(8):
            zero_v[i * 8 + r, :] = zv
        return carry

    lax.fori_loop(0, RPT // 8, zbody, 0)

    def idx_drain(it, carry):
        for i in range(4):
            j = it * 4 + i
            pltpu.make_async_copy(dst_hbm.at[pl.ds(wid * BPW + j * CH, CH)],
                                  idx_v.at[j], sem_idx).wait()
        return carry

    lax.fori_loop(0, NCHUNK // 4, idx_drain, 0)
    pltpu.make_async_copy(msg_hbm.at[pl.ds(0, BPW)], msg_v, sem).wait()
    pltpu.sync_copy(zero_v, aggr_sh.at[pl.ds(sid * RPT, RPT)])
    plsc.subcore_barrier()

    def fire(it, carry):
        for i in range(8):
            j = it * 8 + i
            pltpu.async_copy(msg_v.at[pl.ds(j * CH, CH)],
                             aggr_sh.at[idx_v.at[j]], sem, add=True)
        return carry

    lax.fori_loop(0, NCHUNK // 8, fire, 0)
    pltpu.make_async_copy(msg_v, aggr_sh.at[pl.ds(0, BPW)], sem).wait()
    plsc.subcore_barrier()
    pltpu.sync_copy(aggr_sh.at[pl.ds(sid * RPT, RPT)],
                    out_hbm.at[pl.ds(cid * NA + sid * RPT, RPT)])


def _final_body(p0_ref, p1_ref, hr_ref, w_out_ref, b_out_ref, out_ref):
    hfin = p0_ref[...] + p1_ref[...] + hr_ref[...]
    z = jnp.sum(hfin * w_out_ref[...], axis=1, keepdims=True) + b_out_ref[...]
    lse = jnp.maximum(z, 0.0) + jnp.log(1.0 + jnp.exp(-jnp.abs(z)))
    out_ref[...] = jnp.concatenate([-lse, z - lse], axis=1)


def _final_stage(p0, p1, hr, W_out, b_out):
    grid = (N // BN,)
    return pl.pallas_call(
        _final_body,
        grid=grid,
        in_specs=[
            pl.BlockSpec((BN, C), lambda i: (i, 0)),
            pl.BlockSpec((BN, C), lambda i: (i, 0)),
            pl.BlockSpec((BN, C), lambda i: (i, 0)),
            pl.BlockSpec((1, C), lambda i: (0, 0)),
            pl.BlockSpec((1, 1), lambda i: (0, 0)),
        ],
        out_specs=pl.BlockSpec((BN, 2), lambda i: (i, 0)),
        out_shape=jax.ShapeDtypeStruct((N, 2), jnp.float32),
    )(p0, p1, hr, W_out.reshape(1, C), b_out.reshape(1, 1))


@functools.lru_cache(maxsize=1)
def _sc_kernels():
    mesh = plsc.VectorSubcoreMesh(core_axis_name="c", subcore_axis_name="s",
                                  num_cores=NC, num_subcores=NS)
    params = pltpu.CompilerParams(use_tc_tiling_on_sc=False)
    gather = pl.kernel(
        _gather_body,
        out_type=jax.ShapeDtypeStruct((EP, C), jnp.float32),
        mesh=mesh,
        compiler_params=params,
        scratch_types=[
            pltpu.VMEM((NCHUNK, CH), jnp.int32),
            pltpu.VMEM((BPW, C), jnp.float32),
            pltpu.SemaphoreType.DMA,
            pltpu.SemaphoreType.DMA,
        ],
    )
    scatter = pl.kernel(
        _scatter_body,
        out_type=jax.ShapeDtypeStruct((NC * NA, C), jnp.float32),
        mesh=mesh,
        compiler_params=params,
        scratch_types=[
            pltpu.VMEM((NCHUNK, CH), jnp.int32),
            pltpu.VMEM((BPW, C), jnp.float32),
            pltpu.VMEM((RPT, C), jnp.float32),
            pltpu.VMEM_SHARED((NA, C), jnp.float32),
            pltpu.SemaphoreType.DMA,
            pltpu.SemaphoreType.DMA,
        ],
    )
    return gather, scatter


def kernel(x, edge_index, edge_attr, W_in, b_in, W_e, b_e, root, conv_b, W_out, b_out):
    src = edge_index[0]
    dst = edge_index[1]
    pad = EP - E
    src_p = jnp.concatenate([src, jnp.zeros((pad,), jnp.int32)])
    dst_p = jnp.concatenate([dst, jnp.full((pad,), N, jnp.int32)])

    eye8 = jnp.eye(8, dtype=jnp.float32)
    cc = lax.broadcasted_iota(jnp.int32, (C, C * C), 0)
    jj = lax.broadcasted_iota(jnp.int32, (C, C * C), 1)
    expand = (jj // C == cc).astype(jnp.float32)
    jj2 = lax.broadcasted_iota(jnp.int32, (C * C, C), 0)
    dd = lax.broadcasted_iota(jnp.int32, (C * C, C), 1)
    reduce = (jj2 % C == dd).astype(jnp.float32)
    Wt = jnp.kron(eye8, W_e)
    bt = jnp.tile(b_e, 8).reshape(1, PW)
    Et = jnp.kron(eye8, expand)
    Rt = jnp.kron(eye8, reduce)

    gather_k, scatter_k = _sc_kernels()
    h, hr = _node_stage(x, W_in, b_in, root, conv_b)
    h_src = gather_k(h, src_p)
    eap = edge_attr.reshape(E // 8, 128)
    hsp = h_src.reshape(EP // 8, 128)
    msgp = _edge_stage(eap, hsp, Wt, bt, Et, Rt)
    msg = msgp.reshape(EP, C)
    partials = scatter_k(msg, dst_p)
    p0 = lax.slice(partials, (0, 0), (N, C))
    p1 = lax.slice(partials, (NA, 0), (NA + N, C))
    return _final_stage(p0, p1, hr, W_out, b_out)

# --- scband reference (transcript-rebuilt; emitter-appended) ---
"""Pipeline reference for scband-nnconv-net-90400471646334 (READ-ONLY COPY).

The authoritative reference and input builder live on the scoring server;
editing this copy changes nothing except your own understanding.
"""

import jax, jax.numpy as jnp
import numpy as np

N = 10000
E = 160000
D_IN = 128
D_EDGE = 16
C = 16


def setup_inputs(seed: int = 0) -> dict:
    key = jax.random.key(seed)
    ks = jax.random.split(key, 12)
    x = jax.random.normal(ks[0], (N, D_IN), dtype=jnp.float32)
    edge_index = jax.random.randint(ks[1], (2, E), 0, N, dtype=jnp.int32)
    edge_attr = jax.random.normal(ks[2], (E, D_EDGE), dtype=jnp.float32)
    # lin_in
    W_in = jax.random.normal(ks[3], (D_IN, C), dtype=jnp.float32) * 0.05
    b_in = jnp.zeros((C,), dtype=jnp.float32)
    # edge_nn: Linear(edge_features, C*C) + LeakyReLU
    W_e = jax.random.normal(ks[4], (D_EDGE, C * C), dtype=jnp.float32) * 0.05
    b_e = jnp.zeros((C * C,), dtype=jnp.float32)
    # NNConv root weight and bias
    root = jax.random.normal(ks[5], (C, C), dtype=jnp.float32) * 0.1
    conv_b = jnp.zeros((C,), dtype=jnp.float32)
    # lin_out
    W_out = jax.random.normal(ks[6], (C, 1), dtype=jnp.float32) * 0.1
    b_out = jnp.zeros((1,), dtype=jnp.float32)
    return {
        'x': x, 'edge_index': edge_index, 'edge_attr': edge_attr,
        'W_in': W_in, 'b_in': b_in, 'W_e': W_e, 'b_e': b_e,
        'root': root, 'conv_b': conv_b, 'W_out': W_out, 'b_out': b_out,
    }


def reference(x, edge_index, edge_attr, W_in, b_in, W_e, b_e, root, conv_b, W_out, b_out):
    # lin_in (encoder_depth=0 so encoder is identity)
    h = x @ W_in + b_in
    # gnn_depth=1 loop body; dropout is identity at inference
    h = jax.nn.leaky_relu(h, negative_slope=0.01)
    src = edge_index[0]
    dst = edge_index[1]
    # edge_nn: per-edge dynamic weight [E, C, C]
    w = jax.nn.leaky_relu(edge_attr @ W_e + b_e, negative_slope=0.01).reshape(-1, C, C)
    # NNConv message: x_j @ W_e, aggregated with scatter-add at dst
    msg = jnp.einsum('ec,ecd->ed', h[src], w)
    aggr = jax.ops.segment_sum(msg, dst, num_segments=N)
    h = aggr + h @ root + conv_b
    # decoder_depth=0 so decoder is identity
    out = jnp.squeeze(h @ W_out + b_out, -1)
    logits = jnp.stack([jnp.zeros_like(out), out], axis=1)
    return jax.nn.log_softmax(logits, axis=1)

if __name__ == "__main__":
    import jax
    _d = setup_inputs()
    print(jax.jit(kernel)(*tuple(_d.values())))

</pallas_src>

<mosaic_0001>
#map = affine_map<(d0, d1) -> (0, 0)>
#map1 = affine_map<(d0, d1) -> (0)>
module attributes {stable_mosaic.version = 14 : i64} {
  func.func @_gather_body(%arg0: i32, %arg1: i32, %arg2: memref<10000x16xf32, #tpu.memory_space<hbm>>, %arg3: memref<163840xi32, #tpu.memory_space<hbm>>, %arg4: memref<163840x16xf32, #tpu.memory_space<hbm>>, %arg5: memref<40x128xi32, #tpu.memory_space<vmem>>, %arg6: memref<5120x16xf32, #tpu.memory_space<vmem>>, %arg7: memref<!tpu.dma_semaphore, #tpu.memory_space<semaphore_mem>>, %arg8: memref<!tpu.dma_semaphore, #tpu.memory_space<semaphore_mem>>) attributes {dimension_semantics = [#tpu.dimension_semantics<core_parallel>, #tpu.dimension_semantics<subcore_parallel>], iteration_bounds = array<i64: 2, 16>, scalar_prefetch = 0 : i64, scratch_operands = 4 : i64, tpu.core_type = #tpu.core_type<sc_vector_subcore>, window_params = [{transform_indices = #map}, {transform_indices = #map1}, {transform_indices = #map}]} {
    %mul3A = arith.constant 2 : i32
    %mul3A_0 = arith.muli %arg1, %mul3A : i32
    %add3A = arith.addi %mul3A_0, %arg0 : i32
    %scan3A = arith.constant 0 : i32
    %scan3A_1 = arith.constant 0 : i32
    %scan3A_2 = arith.constant 10 : i32
    %scan3A_3 = arith.addi %scan3A_1, %scan3A_2 : i32
    %scan3A_4 = arith.constant 1 : i32
    scf.for %scan3A_25 = %scan3A_1 to %scan3A_3 step %scan3A_4  : i32 {
      %mul3A_26 = arith.constant 4 : i32
      %mul3A_27 = arith.muli %scan3A_25, %mul3A_26 : i32
      %add3A_28 = arith.constant 0 : i32
      %add3A_29 = arith.addi %mul3A_27, %add3A_28 : i32
      %mul3A_30 = arith.constant 5120 : i32
      %mul3A_31 = arith.muli %add3A, %mul3A_30 : i32
      %mul3A_32 = arith.constant 128 : i32
      %mul3A_33 = arith.muli %add3A_29, %mul3A_32 : i32
      %add3A_34 = arith.addi %mul3A_31, %mul3A_33 : i32
      %dma_start3A = arith.constant 0 : i32
      %dma_start3A_35 = tpu.memref_slice %arg5[%add3A_29, %dma_start3A] : memref<40x128xi32, #tpu.memory_space<vmem>> -> memref<1x128xi32, #tpu.memory_space<vmem>>
      %dma_start3A_36 = tpu.memref_squeeze %dma_start3A_35 : memref<1x128xi32, #tpu.memory_space<vmem>> -> memref<128xi32, #tpu.memory_space<vmem>>
      %dma_start3A_37 = tpu.memref_slice %arg3[%add3A_34] : memref<163840xi32, #tpu.memory_space<hbm>> -> memref<128xi32, #tpu.memory_space<hbm>>
      %dma_start3A_38 = arith.constant 0 : i32
      %dma_start3A_39 = tpu.memref_slice %arg5[%add3A_29, %dma_start3A_38] : memref<40x128xi32, #tpu.memory_space<vmem>> -> memref<1x128xi32, #tpu.memory_space<vmem>>
      %dma_start3A_40 = tpu.memref_squeeze %dma_start3A_39 : memref<1x128xi32, #tpu.memory_space<vmem>> -> memref<128xi32, #tpu.memory_space<vmem>>
      %dma_start3A_41 = tpu.memref_slice %arg3[%add3A_34] : memref<163840xi32, #tpu.memory_space<hbm>> -> memref<128xi32, #tpu.memory_space<hbm>>
      tpu.enqueue_dma source(%dma_start3A_41 : memref<128xi32, #tpu.memory_space<hbm>>) target(%dma_start3A_40 : memref<128xi32, #tpu.memory_space<vmem>>) target_semaphore(%arg8 : memref<!tpu.dma_semaphore, #tpu.memory_space<semaphore_mem>>)
      %mul3A_42 = arith.constant 4 : i32
      %mul3A_43 = arith.muli %scan3A_25, %mul3A_42 : i32
      %add3A_44 = arith.constant 1 : i32
      %add3A_45 = arith.addi %mul3A_43, %add3A_44 : i32
      %mul3A_46 = arith.constant 5120 : i32
      %mul3A_47 = arith.muli %add3A, %mul3A_46 : i32
      %mul3A_48 = arith.constant 128 : i32
      %mul3A_49 = arith.muli %add3A_45, %mul3A_48 : i32
      %add3A_50 = arith.addi %mul3A_47, %mul3A_49 : i32
      %dma_start3A_51 = arith.constant 0 : i32
      %dma_start3A_52 = tpu.memref_slice %arg5[%add3A_45, %dma_start3A_51] : memref<40x128xi32, #tpu.memory_space<vmem>> -> memref<1x128xi32, #tpu.memory_space<vmem>>
      %dma_start3A_53 = tpu.memref_squeeze %dma_start3A_52 : memref<1x128xi32, #tpu.memory_space<vmem>> -> memref<128xi32, #tpu.memory_space<vmem>>
      %dma_start3A_54 = tpu.memref_slice %arg3[%add3A_50] : memref<163840xi32, #tpu.memory_space<hbm>> -> memref<128xi32, #tpu.memory_space<hbm>>
      %dma_start3A_55 = arith.constant 0 : i32
      %dma_start3A_56 = tpu.memref_slice %arg5[%add3A_45, %dma_start3A_55] : memref<40x128xi32, #tpu.memory_space<vmem>> -> memref<1x128xi32, #tpu.memory_space<vmem>>
      %dma_start3A_57 = tpu.memref_squeeze %dma_start3A_56 : memref<1x128xi32, #tpu.memory_space<vmem>> -> memref<128xi32, #tpu.memory_space<vmem>>
      %dma_start3A_58 = tpu.memref_slice %arg3[%add3A_50] : memref<163840xi32, #tpu.memory_space<hbm>> -> memref<128xi32, #tpu.memory_space<hbm>>
      tpu.enqueue_dma source(%dma_start3A_58 : memref<128xi32, #tpu.memory_space<hbm>>) target(%dma_start3A_57 : memref<128xi32, #tpu.memory_space<vmem>>) target_semaphore(%arg8 : memref<!tpu.dma_semaphore, #tpu.memory_space<semaphore_mem>>)
      %mul3A_59 = arith.constant 4 : i32
      %mul3A_60 = arith.muli %scan3A_25, %mul3A_59 : i32
      %add3A_61 = arith.constant 2 : i32
      %add3A_62 = arith.addi %mul3A_60, %add3A_61 : i32
      %mul3A_63 = arith.constant 5120 : i32
      %mul3A_64 = arith.muli %add3A, %mul3A_63 : i32
      %mul3A_65 = arith.constant 128 : i32
      %mul3A_66 = arith.muli %add3A_62, %mul3A_65 : i32
      %add3A_67 = arith.addi %mul3A_64, %mul3A_66 : i32
      %dma_start3A_68 = arith.constant 0 : i32
      %dma_start3A_69 = tpu.memref_slice %arg5[%add3A_62, %dma_start3A_68] : memref<40x128xi32, #tpu.memory_space<vmem>> -> memref<1x128xi32, #tpu.memory_space<vmem>>
      %dma_start3A_70 = tpu.memref_squeeze %dma_start3A_69 : memref<1x128xi32, #tpu.memory_space<vmem>> -> memref<128xi32, #tpu.memory_space<vmem>>
      %dma_start3A_71 = tpu.memref_slice %arg3[%add3A_67] : memref<163840xi32, #tpu.memory_space<hbm>> -> memref<128xi32, #tpu.memory_space<hbm>>
      %dma_start3A_72 = arith.constant 0 : i32
      %dma_start3A_73 = tpu.memref_slice %arg5[%add3A_62, %dma_start3A_72] : memref<40x128xi32, #tpu.memory_space<vmem>> -> memref<1x128xi32, #tpu.memory_space<vmem>>
      %dma_start3A_74 = tpu.memref_squeeze %dma_start3A_73 : memref<1x128xi32, #tpu.memory_space<vmem>> -> memref<128xi32, #tpu.memory_space<vmem>>
      %dma_start3A_75 = tpu.memref_slice %arg3[%add3A_67] : memref<163840xi32, #tpu.memory_space<hbm>> -> memref<128xi32, #tpu.memory_space<hbm>>
      tpu.enqueue_dma source(%dma_start3A_75 : memref<128xi32, #tpu.memory_space<hbm>>) target(%dma_start3A_74 : memref<128xi32, #tpu.memory_space<vmem>>) target_semaphore(%arg8 : memref<!tpu.dma_semaphore, #tpu.memory_space<semaphore_mem>>)
      %mul3A_76 = arith.constant 4 : i32
      %mul3A_77 = arith.muli %scan3A_25, %mul3A_76 : i32
      %add3A_78 = arith.constant 3 : i32
      %add3A_79 = arith.addi %mul3A_77, %add3A_78 : i32
      %mul3A_80 = arith.constant 5120 : i32
      %mul3A_81 = arith.muli %add3A, %mul3A_80 : i32
      %mul3A_82 = arith.constant 128 : i32
      %mul3A_83 = arith.muli %add3A_79, %mul3A_82 : i32
      %add3A_84 = arith.addi %mul3A_81, %mul3A_83 : i32
      %dma_start3A_85 = arith.constant 0 : i32
      %dma_start3A_86 = tpu.memref_slice %arg5[%add3A_79, %dma_start3A_85] : memref<40x128xi32, #tpu.memory_space<vmem>> -> memref<1x128xi32, #tpu.memory_space<vmem>>
      %dma_start3A_87 = tpu.memref_squeeze %dma_start3A_86 : memref<1x128xi32, #tpu.memory_space<vmem>> -> memref<128xi32, #tpu.memory_space<vmem>>
      %dma_start3A_88 = tpu.memref_slice %arg3[%add3A_84] : memref<163840xi32, #tpu.memory_space<hbm>> -> memref<128xi32, #tpu.memory_space<hbm>>
      %dma_start3A_89 = arith.constant 0 : i32
      %dma_start3A_90 = tpu.memref_slice %arg5[%add3A_79, %dma_start3A_89] : memref<40x128xi32, #tpu.memory_space<vmem>> -> memref<1x128xi32, #tpu.memory_space<vmem>>
      %dma_start3A_91 = tpu.memref_squeeze %dma_start3A_90 : memref<1x128xi32, #tpu.memory_space<vmem>> -> memref<128xi32, #tpu.memory_space<vmem>>
      %dma_start3A_92 = tpu.memref_slice %arg3[%add3A_84] : memref<163840xi32, #tpu.memory_space<hbm>> -> memref<128xi32, #tpu.memory_space<hbm>>
      tpu.enqueue_dma source(%dma_start3A_92 : memref<128xi32, #tpu.memory_space<hbm>>) target(%dma_start3A_91 : memref<128xi32, #tpu.memory_space<vmem>>) target_semaphore(%arg8 : memref<!tpu.dma_semaphore, #tpu.memory_space<semaphore_mem>>)
    }
    %scan3A_5 = arith.constant 10 : i32
    %scan3A_6 = arith.constant 0 : i32
    %scan3A_7 = arith.constant 0 : i32
    %scan3A_8 = arith.constant 10 : i32
    %scan3A_9 = arith.addi %scan3A_7, %scan3A_8 : i32
    %scan3A_10 = arith.constant 1 : i32
    scf.for %scan3A_25 = %scan3A_7 to %scan3A_9 step %scan3A_10  : i32 {
      %mul3A_26 = arith.constant 4 : i32
      %mul3A_27 = arith.muli %scan3A_25, %mul3A_26 : i32
      %add3A_28 = arith.constant 0 : i32
      %add3A_29 = arith.addi %mul3A_27, %add3A_28 : i32
      %mul3A_30 = arith.constant 5120 : i32
      %mul3A_31 = arith.muli %add3A, %mul3A_30 : i32
      %mul3A_32 = arith.constant 128 : i32
      %mul3A_33 = arith.muli %add3A_29, %mul3A_32 : i32
      %add3A_34 = arith.addi %mul3A_31, %mul3A_33 : i32
      %dma_wait3A_35 = arith.constant 0 : i32
      %dma_wait3A_36 = tpu.memref_slice %arg5[%add3A_29, %dma_wait3A_35] : memref<40x128xi32, #tpu.memory_space<vmem>> -> memref<1x128xi32, #tpu.memory_space<vmem>>
      %dma_wait3A_37 = tpu.memref_squeeze %dma_wait3A_36 : memref<1x128xi32, #tpu.memory_space<vmem>> -> memref<128xi32, #tpu.memory_space<vmem>>
      %dma_wait3A_38 = tpu.memref_slice %arg3[%add3A_34] : memref<163840xi32, #tpu.memory_space<hbm>> -> memref<128xi32, #tpu.memory_space<hbm>>
      %dma_wait3A_39 = arith.constant 0 : i32
      %dma_wait3A_40 = tpu.memref_slice %arg5[%add3A_29, %dma_wait3A_39] : memref<40x128xi32, #tpu.memory_space<vmem>> -> memref<1x128xi32, #tpu.memory_space<vmem>>
      %dma_wait3A_41 = tpu.memref_squeeze %dma_wait3A_40 : memref<1x128xi32, #tpu.memory_space<vmem>> -> memref<128xi32, #tpu.memory_space<vmem>>
      %dma_wait3A_42 = tpu.memref_slice %arg3[%add3A_34] : memref<163840xi32, #tpu.memory_space<hbm>> -> memref<128xi32, #tpu.memory_space<hbm>>
      tpu.wait_dma2 semaphore(%arg8 : memref<!tpu.dma_semaphore, #tpu.memory_space<semaphore_mem>>) src(%dma_wait3A_42 : memref<128xi32, #tpu.memory_space<hbm>>) dst(%dma_wait3A_41 : memref<128xi32, #tpu.memory_space<vmem>>)
      %mul3A_43 = arith.constant 4 : i32
      %mul3A_44 = arith.muli %scan3A_25, %mul3A_43 : i32
      %add3A_45 = arith.constant 1 : i32
      %add3A_46 = arith.addi %mul3A_44, %add3A_45 : i32
      %mul3A_47 = arith.constant 5120 : i32
      %mul3A_48 = arith.muli %add3A, %mul3A_47 : i32
      %mul3A_49 = arith.constant 128 : i32
      %mul3A_50 = arith.muli %add3A_46, %mul3A_49 : i32
      %add3A_51 = arith.addi %mul3A_48, %mul3A_50 : i32
      %dma_wait3A_52 = arith.constant 0 : i32
      %dma_wait3A_53 = tpu.memref_slice %arg5[%add3A_46, %dma_wait3A_52] : memref<40x128xi32, #tpu.memory_space<vmem>> -> memref<1x128xi32, #tpu.memory_space<vmem>>
      %dma_wait3A_54 = tpu.memref_squeeze %dma_wait3A_53 : memref<1x128xi32, #tpu.memory_space<vmem>> -> memref<128xi32, #tpu.memory_space<vmem>>
      %dma_wait3A_55 = tpu.memref_slice %arg3[%add3A_51] : memref<163840xi32, #tpu.memory_space<hbm>> -> memref<128xi32, #tpu.memory_space<hbm>>
      %dma_wait3A_56 = arith.constant 0 : i32
      %dma_wait3A_57 = tpu.memref_slice %arg5[%add3A_46, %dma_wait3A_56] : memref<40x128xi32, #tpu.memory_space<vmem>> -> memref<1x128xi32, #tpu.memory_space<vmem>>
      %dma_wait3A_58 = tpu.memref_squeeze %dma_wait3A_57 : memref<1x128xi32, #tpu.memory_space<vmem>> -> memref<128xi32, #tpu.memory_space<vmem>>
      %dma_wait3A_59 = tpu.memref_slice %arg3[%add3A_51] : memref<163840xi32, #tpu.memory_space<hbm>> -> memref<128xi32, #tpu.memory_space<hbm>>
      tpu.wait_dma2 semaphore(%arg8 : memref<!tpu.dma_semaphore, #tpu.memory_space<semaphore_mem>>) src(%dma_wait3A_59 : memref<128xi32, #tpu.memory_space<hbm>>) dst(%dma_wait3A_58 : memref<128xi32, #tpu.memory_space<vmem>>)
      %mul3A_60 = arith.constant 4 : i32
      %mul3A_61 = arith.muli %scan3A_25, %mul3A_60 : i32
      %add3A_62 = arith.constant 2 : i32
      %add3A_63 = arith.addi %mul3A_61, %add3A_62 : i32
      %mul3A_64 = arith.constant 5120 : i32
      %mul3A_65 = arith.muli %add3A, %mul3A_64 : i32
      %mul3A_66 = arith.constant 128 : i32
      %mul3A_67 = arith.muli %add3A_63, %mul3A_66 : i32
      %add3A_68 = arith.addi %mul3A_65, %mul3A_67 : i32
      %dma_wait3A_69 = arith.constant 0 : i32
      %dma_wait3A_70 = tpu.memref_slice %arg5[%add3A_63, %dma_wait3A_69] : memref<40x128xi32, #tpu.memory_space<vmem>> -> memref<1x128xi32, #tpu.memory_space<vmem>>
      %dma_wait3A_71 = tpu.memref_squeeze %dma_wait3A_70 : memref<1x128xi32, #tpu.memory_space<vmem>> -> memref<128xi32, #tpu.memory_space<vmem>>
      %dma_wait3A_72 = tpu.memref_slice %arg3[%add3A_68] : memref<163840xi32, #tpu.memory_space<hbm>> -> memref<128xi32, #tpu.memory_space<hbm>>
      %dma_wait3A_73 = arith.constant 0 : i32
      %dma_wait3A_74 = tpu.memref_slice %arg5[%add3A_63, %dma_wait3A_73] : memref<40x128xi32, #tpu.memory_space<vmem>> -> memref<1x128xi32, #tpu.memory_space<vmem>>
      %dma_wait3A_75 = tpu.memref_squeeze %dma_wait3A_74 : memref<1x128xi32, #tpu.memory_space<vmem>> -> memref<128xi32, #tpu.memory_space<vmem>>
      %dma_wait3A_76 = tpu.memref_slice %arg3[%add3A_68] : memref<163840xi32, #tpu.memory_space<hbm>> -> memref<128xi32, #tpu.memory_space<hbm>>
      tpu.wait_dma2 semaphore(%arg8 : memref<!tpu.dma_semaphore, #tpu.memory_space<semaphore_mem>>) src(%dma_wait3A_76 : memref<128xi32, #tpu.memory_space<hbm>>) dst(%dma_wait3A_75 : memref<128xi32, #tpu.memory_space<vmem>>)
      %mul3A_77 = arith.constant 4 : i32
      %mul3A_78 = arith.muli %scan3A_25, %mul3A_77 : i32
      %add3A_79 = arith.constant 3 : i32
      %add3A_80 = arith.addi %mul3A_78, %add3A_79 : i32
      %mul3A_81 = arith.constant 5120 : i32
      %mul3A_82 = arith.muli %add3A, %mul3A_81 : i32
      %mul3A_83 = arith.constant 128 : i32
      %mul3A_84 = arith.muli %add3A_80, %mul3A_83 : i32
      %add3A_85 = arith.addi %mul3A_82, %mul3A_84 : i32
      %dma_wait3A_86 = arith.constant 0 : i32
      %dma_wait3A_87 = tpu.memref_slice %arg5[%add3A_80, %dma_wait3A_86] : memref<40x128xi32, #tpu.memory_space<vmem>> -> memref<1x128xi32, #tpu.memory_space<vmem>>
      %dma_wait3A_88 = tpu.memref_squeeze %dma_wait3A_87 : memref<1x128xi32, #tpu.memory_space<vmem>> -> memref<128xi32, #tpu.memory_space<vmem>>
      %dma_wait3A_89 = tpu.memref_slice %arg3[%add3A_85] : memref<163840xi32, #tpu.memory_space<hbm>> -> memref<128xi32, #tpu.memory_space<hbm>>
      %dma_wait3A_90 = arith.constant 0 : i32
      %dma_wait3A_91 = tpu.memref_slice %arg5[%add3A_80, %dma_wait3A_90] : memref<40x128xi32, #tpu.memory_space<vmem>> -> memref<1x128xi32, #tpu.memory_space<vmem>>
      %dma_wait3A_92 = tpu.memref_squeeze %dma_wait3A_91 : memref<1x128xi32, #tpu.memory_space<vmem>> -> memref<128xi32, #tpu.memory_space<vmem>>
      %dma_wait3A_93 = tpu.memref_slice %arg3[%add3A_85] : memref<163840xi32, #tpu.memory_space<hbm>> -> memref<128xi32, #tpu.memory_space<hbm>>
      tpu.wait_dma2 semaphore(%arg8 : memref<!tpu.dma_semaphore, #tpu.memory_space<semaphore_mem>>) src(%dma_wait3A_93 : memref<128xi32, #tpu.memory_space<hbm>>) dst(%dma_wait3A_92 : memref<128xi32, #tpu.memory_space<vmem>>)
    }
    %scan3A_11 = arith.constant 10 : i32
    %scan3A_12 = arith.constant 0 : i32
    %scan3A_13 = arith.constant 0 : i32
    %scan3A_14 = arith.constant 5 : i32
    %scan3A_15 = arith.addi %scan3A_13, %scan3A_14 : i32
    %scan3A_16 = arith.constant 1 : i32
    scf.for %scan3A_25 = %scan3A_13 to %scan3A_15 step %scan3A_16  : i32 {
      %mul3A_26 = arith.constant 8 : i32
      %mul3A_27 = arith.muli %scan3A_25, %mul3A_26 : i32
      %add3A_28 = arith.constant 0 : i32
      %add3A_29 = arith.addi %mul3A_27, %add3A_28 : i32
      %mul3A_30 = arith.constant 128 : i32
      %mul3A_31 = arith.muli %add3A_29, %mul3A_30 : i32
      %dma_start3A = arith.constant 0 : i32
      %dma_start3A_32 = tpu.memref_slice %arg6[%mul3A_31, %dma_start3A] : memref<5120x16xf32, #tpu.memory_space<vmem>> -> memref<128x16xf32, #tpu.memory_space<vmem>>
      %dma_start3A_33 = arith.constant 0 : i32
      %dma_start3A_34 = tpu.memref_slice %arg5[%add3A_29, %dma_start3A_33] : memref<40x128xi32, #tpu.memory_space<vmem>> -> memref<1x128xi32, #tpu.memory_space<vmem>>
      %dma_start3A_35 = tpu.memref_squeeze %dma_start3A_34 : memref<1x128xi32, #tpu.memory_space<vmem>> -> memref<128xi32, #tpu.memory_space<vmem>>
      %dma_start3A_36 = arith.constant 0 : i32
      %dma_start3A_37 = arith.constant 0 : i32
      %dma_start3A_38 = tpu.memref_slice %arg2[%dma_start3A_36, %dma_start3A_37] : memref<10000x16xf32, #tpu.memory_space<hbm>> -> memref<10000x16xf32, #tpu.memory_space<hbm>>
      tpu.enqueue_indirect_dma source(%dma_start3A_38 : memref<10000x16xf32, #tpu.memory_space<hbm>>) target(%dma_start3A_32 : memref<128x16xf32, #tpu.memory_space<vmem>>) offsets(%dma_start3A_35 : memref<128xi32, #tpu.memory_space<vmem>>) semaphore(%arg7 : memref<!tpu.dma_semaphore, #tpu.memory_space<semaphore_mem>>)
      %mul3A_39 = arith.constant 8 : i32
      %mul3A_40 = arith.muli %scan3A_25, %mul3A_39 : i32
      %add3A_41 = arith.constant 1 : i32
      %add3A_42 = arith.addi %mul3A_40, %add3A_41 : i32
      %mul3A_43 = arith.constant 128 : i32
      %mul3A_44 = arith.muli %add3A_42, %mul3A_43 : i32
      %dma_start3A_45 = arith.constant 0 : i32
      %dma_start3A_46 = tpu.memref_slice %arg6[%mul3A_44, %dma_start3A_45] : memref<5120x16xf32, #tpu.memory_space<vmem>> -> memref<128x16xf32, #tpu.memory_space<vmem>>
      %dma_start3A_47 = arith.constant 0 : i32
      %dma_start3A_48 = tpu.memref_slice %arg5[%add3A_42, %dma_start3A_47] : memref<40x128xi32, #tpu.memory_space<vmem>> -> memref<1x128xi32, #tpu.memory_space<vmem>>
      %dma_start3A_49 = tpu.memref_squeeze %dma_start3A_48 : memref<1x128xi32, #tpu.memory_space<vmem>> -> memref<128xi32, #tpu.memory_space<vmem>>
      %dma_start3A_50 = arith.constant 0 : i32
      %dma_start3A_51 = arith.constant 0 : i32
      %dma_start3A_52 = tpu.memref_slice %arg2[%dma_start3A_50, %dma_start3A_51] : memref<10000x16xf32, #tpu.memory_space<hbm>> -> memref<10000x16xf32, #tpu.memory_space<hbm>>
      tpu.enqueue_indirect_dma source(%dma_start3A_52 : memref<10000x16xf32, #tpu.memory_space<hbm>>) target(%dma_start3A_46 : memref<128x16xf32, #tpu.memory_space<vmem>>) offsets(%dma_start3A_49 : memref<128xi32, #tpu.memory_space<vmem>>) semaphore(%arg7 : memref<!tpu.dma_semaphore, #tpu.memory_space<semaphore_mem>>)
      %mul3A_53 = arith.constant 8 : i32
      %mul3A_54 = arith.muli %scan3A_25, %mul3A_53 : i32
      %add3A_55 = arith.constant 2 : i32
      %add3A_56 = arith.addi %mul3A_54, %add3A_55 : i32
      %mul3A_57 = arith.constant 128 : i32
      %mul3A_58 = arith.muli %add3A_56, %mul3A_57 : i32
      %dma_start3A_59 = arith.constant 0 : i32
      %dma_start3A_60 = tpu.memref_slice %arg6[%mul3A_58, %dma_start3A_59] : memref<5120x16xf32, #tpu.memory_space<vmem>> -> memref<128x16xf32, #tpu.memory_space<vmem>>
      %dma_start3A_61 = arith.constant 0 : i32
      %dma_start3A_62 = tpu.memref_slice %arg5[%add3A_56, %dma_start3A_61] : memref<40x128xi32, #tpu.memory_space<vmem>> -> memref<1x128xi32, #tpu.memory_space<vmem>>
      %dma_start3A_63 = tpu.memref_squeeze %dma_start3A_62 : memref<1x128xi32, #tpu.memory_space<vmem>> -> memref<128xi32, #tpu.memory_space<vmem>>
      %dma_start3A_64 = arith.constant 0 : i32
      %dma_start3A_65 = arith.constant 0 : i32
      %dma_start3A_66 = tpu.memref_slice %arg2[%dma_start3A_64, %dma_start3A_65] : memref<10000x16xf32, #tpu.memory_space<hbm>> -> memref<10000x16xf32, #tpu.memory_space<hbm>>
      tpu.enqueue_indirect_dma source(%dma_start3A_66 : memref<10000x16xf32, #tpu.memory_space<hbm>>) target(%dma_start3A_60 : memref<128x16xf32, #tpu.memory_space<vmem>>) offsets(%dma_start3A_63 : memref<128xi32, #tpu.memory_space<vmem>>) semaphore(%arg7 : memref<!tpu.dma_semaphore, #tpu.memory_space<semaphore_mem>>)
      %mul3A_67 = arith.constant 8 : i32
      %mul3A_68 = arith.muli %scan3A_25, %mul3A_67 : i32
      %add3A_69 = arith.constant 3 : i32
      %add3A_70 = arith.addi %mul3A_68, %add3A_69 : i32
      %mul3A_71 = arith.constant 128 : i32
      %mul3A_72 = arith.muli %add3A_70, %mul3A_71 : i32
      %dma_start3A_73 = arith.constant 0 : i32
      %dma_start3A_74 = tpu.memref_slice %arg6[%mul3A_72, %dma_start3A_73] : memref<5120x16xf32, #tpu.memory_space<vmem>> -> memref<128x16xf32, #tpu.memory_space<vmem>>
      %dma_start3A_75 = arith.constant 0 : i32
      %dma_start3A_76 = tpu.memref_slice %arg5[%add3A_70, %dma_start3A_75] : memref<40x128xi32, #tpu.memory_space<vmem>> -> memref<1x128xi32, #tpu.memory_space<vmem>>
      %dma_start3A_77 = tpu.memref_squeeze %dma_start3A_76 : memref<1x128xi32, #tpu.memory_space<vmem>> -> memref<128xi32, #tpu.memory_space<vmem>>
      %dma_start3A_78 = arith.constant 0 : i32
      %dma_start3A_79 = arith.constant 0 : i32
      %dma_start3A_80 = tpu.memref_slice %arg2[%dma_start3A_78, %dma_start3A_79] : memref<10000x16xf32, #tpu.memory_space<hbm>> -> memref<10000x16xf32, #tpu.memory_space<hbm>>
      tpu.enqueue_indirect_dma source(%dma_start3A_80 : memref<10000x16xf32, #tpu.memory_space<hbm>>) target(%dma_start3A_74 : memref<128x16xf32, #tpu.memory_space<vmem>>) offsets(%dma_start3A_77 : memref<128xi32, #tpu.memory_space<vmem>>) semaphore(%arg7 : memref<!tpu.dma_semaphore, #tpu.memory_space<semaphore_mem>>)
      %mul3A_81 = arith.constant 8 : i32
      %mul3A_82 = arith.muli %scan3A_25, %mul3A_81 : i32
      %add3A_83 = arith.constant 4 : i32
      %add3A_84 = arith.addi %mul3A_82, %add3A_83 : i32
      %mul3A_85 = arith.constant 128 : i32
      %mul3A_86 = arith.muli %add3A_84, %mul3A_85 : i32
      %dma_start3A_87 = arith.constant 0 : i32
      %dma_start3A_88 = tpu.memref_slice %arg6[%mul3A_86, %dma_start3A_87] : memref<5120x16xf32, #tpu.memory_space<vmem>> -> memref<128x16xf32, #tpu.memory_space<vmem>>
      %dma_start3A_89 = arith.constant 0 : i32
      %dma_start3A_90 = tpu.memref_slice %arg5[%add3A_84, %dma_start3A_89] : memref<40x128xi32, #tpu.memory_space<vmem>> -> memref<1x128xi32, #tpu.memory_space<vmem>>
      %dma_start3A_91 = tpu.memref_squeeze %dma_start3A_90 : memref<1x128xi32, #tpu.memory_space<vmem>> -> memref<128xi32, #tpu.memory_space<vmem>>
      %dma_start3A_92 = arith.constant 0 : i32
      %dma_start3A_93 = arith.constant 0 : i32
      %dma_start3A_94 = tpu.memref_slice %arg2[%dma_start3A_92, %dma_start3A_93] : memref<10000x16xf32, #tpu.memory_space<hbm>> -> memref<10000x16xf32, #tpu.memory_space<hbm>>
      tpu.enqueue_indirect_dma source(%dma_start3A_94 : memref<10000x16xf32, #tpu.memory_space<hbm>>) target(%dma_start3A_88 : memref<128x16xf32, #tpu.memory_space<vmem>>) offsets(%dma_start3A_91 : memref<128xi32, #tpu.memory_space<vmem>>) semaphore(%arg7 : memref<!tpu.dma_semaphore, #tpu.memory_space<semaphore_mem>>)
      %mul3A_95 = arith.constant 8 : i32
      %mul3A_96 = arith.muli %scan3A_25, %mul3A_95 : i32
      %add3A_97 = arith.constant 5 : i32
      %add3A_98 = arith.addi %mul3A_96, %add3A_97 : i32
      %mul3A_99 = arith.constant 128 : i32
      %mul3A_100 = arith.muli %add3A_98, %mul3A_99 : i32
      %dma_start3A_101 = arith.constant 0 : i32
      %dma_start3A_102 = tpu.memref_slice %arg6[%mul3A_100, %dma_start3A_101] : memref<5120x16xf32, #tpu.memory_space<vmem>> -> memref<128x16xf32, #tpu.memory_space<vmem>>
      %dma_start3A_103 = arith.constant 0 : i32
      %dma_start3A_104 = tpu.memref_slice %arg5[%add3A_98, %dma_start3A_103] : memref<40x128xi32, #tpu.memory_space<vmem>> -> memref<1x128xi32, #tpu.memory_space<vmem>>
      %dma_start3A_105 = tpu.memref_squeeze %dma_start3A_104 : memref<1x128xi32, #tpu.memory_space<vmem>> -> memref<128xi32, #tpu.memory_space<vmem>>
      %dma_start3A_106 = arith.constant 0 : i32
      %dma_start3A_107 = arith.constant 0 : i32
      %dma_start3A_108 = tpu.memref_slice %arg2[%dma_start3A_106, %dma_start3A_107] : memref<10000x16xf32, #tpu.memory_space<hbm>> -> memref<10000x16xf32, #tpu.memory_space<hbm>>
      tpu.enqueue_indirect_dma source(%dma_start3A_108 : memref<10000x16xf32, #tpu.memory_space<hbm>>) target(%dma_start3A_102 : memref<128x16xf32, #tpu.memory_space<vmem>>) offsets(%dma_start3A_105 : memref<128xi32, #tpu.memory_space<vmem>>) semaphore(%arg7 : memref<!tpu.dma_semaphore, #tpu.memory_space<semaphore_mem>>)
      %mul3A_109 = arith.constant 8 : i32
      %mul3A_110 = arith.muli %scan3A_25, %mul3A_109 : i32
      %add3A_111 = arith.constant 6 : i32
      %add3A_112 = arith.addi %mul3A_110, %add3A_111 : i32
      %mul3A_113 = arith.constant 128 : i32
      %mul3A_114 = arith.muli %add3A_112, %mul3A_113 : i32
      %dma_start3A_115 = arith.constant 0 : i32
      %dma_start3A_116 = tpu.memref_slice %arg6[%mul3A_114, %dma_start3A_115] : memref<5120x16xf32, #tpu.memory_space<vmem>> -> memref<128x16xf32, #tpu.memory_space<vmem>>
      %dma_start3A_117 = arith.constant 0 : i32
      %dma_start3A_118 = tpu.memref_slice %arg5[%add3A_112, %dma_start3A_117] : memref<40x128xi32, #tpu.memory_space<vmem>> -> memref<1x128xi32, #tpu.memory_space<vmem>>
      %dma_start3A_119 = tpu.memref_squeeze %dma_start3A_118 : memref<1x128xi32, #tpu.memory_space<vmem>> -> memref<128xi32, #tpu.memory_space<vmem>>
      %dma_start3A_120 = arith.constant 0 : i32
      %dma_start3A_121 = arith.constant 0 : i32
      %dma_start3A_122 = tpu.memref_slice %arg2[%dma_start3A_120, %dma_start3A_121] : memref<10000x16xf32, #tpu.memory_space<hbm>> -> memref<10000x16xf32, #tpu.memory_space<hbm>>
      tpu.enqueue_indirect_dma source(%dma_start3A_122 : memref<10000x16xf32, #tpu.memory_space<hbm>>) target(%dma_start3A_116 : memref<128x16xf32, #tpu.memory_space<vmem>>) offsets(%dma_start3A_119 : memref<128xi32, #tpu.memory_space<vmem>>) semaphore(%arg7 : memref<!tpu.dma_semaphore, #tpu.memory_space<semaphore_mem>>)
      %mul3A_123 = arith.constant 8 : i32
      %mul3A_124 = arith.muli %scan3A_25, %mul3A_123 : i32
      %add3A_125 = arith.constant 7 : i32
      %add3A_126 = arith.addi %mul3A_124, %add3A_125 : i32
      %mul3A_127 = arith.constant 128 : i32
      %mul3A_128 = arith.muli %add3A_126, %mul3A_127 : i32
      %dma_start3A_129 = arith.constant 0 : i32
      %dma_start3A_130 = tpu.memref_slice %arg6[%mul3A_128, %dma_start3A_129] : memref<5120x16xf32, #tpu.memory_space<vmem>> -> memref<128x16xf32, #tpu.memory_space<vmem>>
      %dma_start3A_131 = arith.constant 0 : i32
      %dma_start3A_132 = tpu.memref_slice %arg5[%add3A_126, %dma_start3A_131] : memref<40x128xi32, #tpu.memory_space<vmem>> -> memref<1x128xi32, #tpu.memory_space<vmem>>
      %dma_start3A_133 = tpu.memref_squeeze %dma_start3A_132 : memref<1x128xi32, #tpu.memory_space<vmem>> -> memref<128xi32, #tpu.memory_space<vmem>>
      %dma_start3A_134 = arith.constant 0 : i32
      %dma_start3A_135 = arith.constant 0 : i32
      %dma_start3A_136 = tpu.memref_slice %arg2[%dma_start3A_134, %dma_start3A_135] : memref<10000x16xf32, #tpu.memory_space<hbm>> -> memref<10000x16xf32, #tpu.memory_space<hbm>>
      tpu.enqueue_indirect_dma source(%dma_start3A_136 : memref<10000x16xf32, #tpu.memory_space<hbm>>) target(%dma_start3A_130 : memref<128x16xf32, #tpu.memory_space<vmem>>) offsets(%dma_start3A_133 : memref<128xi32, #tpu.memory_space<vmem>>) semaphore(%arg7 : memref<!tpu.dma_semaphore, #tpu.memory_space<semaphore_mem>>)
    }
    %scan3A_17 = arith.constant 5 : i32
    %dma_wait3A = arith.constant 0 : i32
    %dma_wait3A_18 = arith.constant 0 : i32
    %dma_wait3A_19 = tpu.memref_slice %arg2[%dma_wait3A, %dma_wait3A_18] : memref<10000x16xf32, #tpu.memory_space<hbm>> -> memref<5120x16xf32, #tpu.memory_space<hbm>>
    %dma_wait3A_20 = arith.constant 0 : i32
    %dma_wait3A_21 = arith.constant 0 : i32
    %dma_wait3A_22 = tpu.memref_slice %arg2[%dma_wait3A_20, %dma_wait3A_21] : memref<10000x16xf32, #tpu.memory_space<hbm>> -> memref<5120x16xf32, #tpu.memory_space<hbm>>
    tpu.wait_dma2 semaphore(%arg7 : memref<!tpu.dma_semaphore, #tpu.memory_space<semaphore_mem>>) src(%dma_wait3A_22 : memref<5120x16xf32, #tpu.memory_space<hbm>>) dst(%arg6 : memref<5120x16xf32, #tpu.memory_space<vmem>>)
    %mul3A_23 = arith.constant 5120 : i32
    %mul3A_24 = arith.muli %add3A, %mul3A_23 : i32
    "tpu.region"() ({
      %run_scoped3A = tpu.sem_alloc : memref<!tpu.dma_semaphore, #tpu.memory_space<semaphore_mem>>
      %dma_start3A = arith.constant 0 : i32
      %dma_start3A_25 = tpu.memref_slice %arg4[%mul3A_24, %dma_start3A] : memref<163840x16xf32, #tpu.memory_space<hbm>> -> memref<5120x16xf32, #tpu.memory_space<hbm>>
      %dma_start3A_26 = arith.constant 0 : i32
      %dma_start3A_27 = tpu.memref_slice %arg4[%mul3A_24, %dma_start3A_26] : memref<163840x16xf32, #tpu.memory_space<hbm>> -> memref<5120x16xf32, #tpu.memory_space<hbm>>
      tpu.enqueue_dma source(%arg6 : memref<5120x16xf32, #tpu.memory_space<vmem>>) target(%dma_start3A_27 : memref<5120x16xf32, #tpu.memory_space<hbm>>) target_semaphore(%run_scoped3A : memref<!tpu.dma_semaphore, #tpu.memory_space<semaphore_mem>>)
      %dma_wait3A_28 = arith.constant 0 : i32
      %dma_wait3A_29 = tpu.memref_slice %arg4[%mul3A_24, %dma_wait3A_28] : memref<163840x16xf32, #tpu.memory_space<hbm>> -> memref<5120x16xf32, #tpu.memory_space<hbm>>
      %dma_wait3A_30 = arith.constant 0 : i32
      %dma_wait3A_31 = tpu.memref_slice %arg4[%mul3A_24, %dma_wait3A_30] : memref<163840x16xf32, #tpu.memory_space<hbm>> -> memref<5120x16xf32, #tpu.memory_space<hbm>>
      tpu.wait_dma2 semaphore(%run_scoped3A : memref<!tpu.dma_semaphore, #tpu.memory_space<semaphore_mem>>) src(%arg6 : memref<5120x16xf32, #tpu.memory_space<vmem>>) dst(%dma_wait3A_31 : memref<5120x16xf32, #tpu.memory_space<hbm>>)
      tpu.yield
    }) : () -> ()
    return
  }
}

#map = affine_map<(d0, d1) -> (0, 0)>
#map1 = affine_map<(d0, d1) -> (0)>
module attributes {stable_mosaic.version = 14 : i64} {
  func.func @_scatter_body(%arg0: i32, %arg1: i32, %arg2: memref<163840x16xf32, #tpu.memory_space<hbm>>, %arg3: memref<163840xi32, #tpu.memory_space<hbm>>, %arg4: memref<20480x16xf32, #tpu.memory_space<hbm>>, %arg5: memref<40x128xi32, #tpu.memory_space<vmem>>, %arg6: memref<5120x16xf32, #tpu.memory_space<vmem>>, %arg7: memref<640x16xf32, #tpu.memory_space<vmem>>, %arg8: memref<10240x16xf32, #tpu.memory_space<vmem_shared>>, %arg9: memref<!tpu.dma_semaphore, #tpu.memory_space<semaphore_mem>>, %arg10: memref<!tpu.dma_semaphore, #tpu.memory_space<semaphore_mem>>) attributes {dimension_semantics = [#tpu.dimension_semantics<core_parallel>, #tpu.dimension_semantics<subcore_parallel>], iteration_bounds = array<i64: 2, 16>, scalar_prefetch = 0 : i64, scratch_operands = 6 : i64, tpu.core_type = #tpu.core_type<sc_vector_subcore>, window_params = [{transform_indices = #map}, {transform_indices = #map1}, {transform_indices = #map}]} {
    %mul3A = arith.constant 2 : i32
    %mul3A_0 = arith.muli %arg1, %mul3A : i32
    %add3A = arith.addi %mul3A_0, %arg0 : i32
    %scan3A = arith.constant 0 : i32
    %scan3A_1 = arith.constant 0 : i32
    %scan3A_2 = arith.constant 10 : i32
    %scan3A_3 = arith.addi %scan3A_1, %scan3A_2 : i32
    %scan3A_4 = arith.constant 1 : i32
    scf.for %scan3A_51 = %scan3A_1 to %scan3A_3 step %scan3A_4  : i32 {
      %mul3A_52 = arith.constant 4 : i32
      %mul3A_53 = arith.muli %scan3A_51, %mul3A_52 : i32
      %add3A_54 = arith.constant 0 : i32
      %add3A_55 = arith.addi %mul3A_53, %add3A_54 : i32
      %mul3A_56 = arith.constant 5120 : i32
      %mul3A_57 = arith.muli %add3A, %mul3A_56 : i32
      %mul3A_58 = arith.constant 128 : i32
      %mul3A_59 = arith.muli %add3A_55, %mul3A_58 : i32
      %add3A_60 = arith.addi %mul3A_57, %mul3A_59 : i32
      %dma_start3A_61 = arith.constant 0 : i32
      %dma_start3A_62 = tpu.memref_slice %arg5[%add3A_55, %dma_start3A_61] : memref<40x128xi32, #tpu.memory_space<vmem>> -> memref<1x128xi32, #tpu.memory_space<vmem>>
      %dma_start3A_63 = tpu.memref_squeeze %dma_start3A_62 : memref<1x128xi32, #tpu.memory_space<vmem>> -> memref<128xi32, #tpu.memory_space<vmem>>
      %dma_start3A_64 = tpu.memref_slice %arg3[%add3A_60] : memref<163840xi32, #tpu.memory_space<hbm>> -> memref<128xi32, #tpu.memory_space<hbm>>
      %dma_start3A_65 = arith.constant 0 : i32
      %dma_start3A_66 = tpu.memref_slice %arg5[%add3A_55, %dma_start3A_65] : memref<40x128xi32, #tpu.memory_space<vmem>> -> memref<1x128xi32, #tpu.memory_space<vmem>>
      %dma_start3A_67 = tpu.memref_squeeze %dma_start3A_66 : memref<1x128xi32, #tpu.memory_space<vmem>> -> memref<128xi32, #tpu.memory_space<vmem>>
      %dma_start3A_68 = tpu.memref_slice %arg3[%add3A_60] : memref<163840xi32, #tpu.memory_space<hbm>> -> memref<128xi32, #tpu.memory_space<hbm>>
      tpu.enqueue_dma source(%dma_start3A_68 : memref<128xi32, #tpu.memory_space<hbm>>) target(%dma_start3A_67 : memref<128xi32, #tpu.memory_space<vmem>>) target_semaphore(%arg10 : memref<!tpu.dma_semaphore, #tpu.memory_space<semaphore_mem>>)
      %mul3A_69 = arith.constant 4 : i32
      %mul3A_70 = arith.muli %scan3A_51, %mul3A_69 : i32
      %add3A_71 = arith.constant 1 : i32
      %add3A_72 = arith.addi %mul3A_70, %add3A_71 : i32
      %mul3A_73 = arith.constant 5120 : i32
      %mul3A_74 = arith.muli %add3A, %mul3A_73 : i32
      %mul3A_75 = arith.constant 128 : i32
      %mul3A_76 = arith.muli %add3A_72, %mul3A_75 : i32
      %add3A_77 = arith.addi %mul3A_74, %mul3A_76 : i32
      %dma_start3A_78 = arith.constant 0 : i32
      %dma_start3A_79 = tpu.memref_slice %arg5[%add3A_72, %dma_start3A_78] : memref<40x128xi32, #tpu.memory_space<vmem>> -> memref<1x128xi32, #tpu.memory_space<vmem>>
      %dma_start3A_80 = tpu.memref_squeeze %dma_start3A_79 : memref<1x128xi32, #tpu.memory_space<vmem>> -> memref<128xi32, #tpu.memory_space<vmem>>
      %dma_start3A_81 = tpu.memref_slice %arg3[%add3A_77] : memref<163840xi32, #tpu.memory_space<hbm>> -> memref<128xi32, #tpu.memory_space<hbm>>
      %dma_start3A_82 = arith.constant 0 : i32
      %dma_start3A_83 = tpu.memref_slice %arg5[%add3A_72, %dma_start3A_82] : memref<40x128xi32, #tpu.memory_space<vmem>> -> memref<1x128xi32, #tpu.memory_space<vmem>>
      %dma_start3A_84 = tpu.memref_squeeze %dma_start3A_83 : memref<1x128xi32, #tpu.memory_space<vmem>> -> memref<128xi32, #tpu.memory_space<vmem>>
      %dma_start3A_85 = tpu.memref_slice %arg3[%add3A_77] : memref<163840xi32, #tpu.memory_space<hbm>> -> memref<128xi32, #tpu.memory_space<hbm>>
      tpu.enqueue_dma source(%dma_start3A_85 : memref<128xi32, #tpu.memory_space<hbm>>) target(%dma_start3A_84 : memref<128xi32, #tpu.memory_space<vmem>>) target_semaphore(%arg10 : memref<!tpu.dma_semaphore, #tpu.memory_space<semaphore_mem>>)
      %mul3A_86 = arith.constant 4 : i32
      %mul3A_87 = arith.muli %scan3A_51, %mul3A_86 : i32
      %add3A_88 = arith.constant 2 : i32
      %add3A_89 = arith.addi %mul3A_87, %add3A_88 : i32
      %mul3A_90 = arith.constant 5120 : i32
      %mul3A_91 = arith.muli %add3A, %mul3A_90 : i32
      %mul3A_92 = arith.constant 128 : i32
      %mul3A_93 = arith.muli %add3A_89, %mul3A_92 : i32
      %add3A_94 = arith.addi %mul3A_91, %mul3A_93 : i32
      %dma_start3A_95 = arith.constant 0 : i32
      %dma_start3A_96 = tpu.memref_slice %arg5[%add3A_89, %dma_start3A_95] : memref<40x128xi32, #tpu.memory_space<vmem>> -> memref<1x128xi32, #tpu.memory_space<vmem>>
      %dma_start3A_97 = tpu.memref_squeeze %dma_start3A_96 : memref<1x128xi32, #tpu.memory_space<vmem>> -> memref<128xi32, #tpu.memory_space<vmem>>
      %dma_start3A_98 = tpu.memref_slice %arg3[%add3A_94] : memref<163840xi32, #tpu.memory_space<hbm>> -> memref<128xi32, #tpu.memory_space<hbm>>
      %dma_start3A_99 = arith.constant 0 : i32
      %dma_start3A_100 = tpu.memref_slice %arg5[%add3A_89, %dma_start3A_99] : memref<40x128xi32, #tpu.memory_space<vmem>> -> memref<1x128xi32, #tpu.memory_space<vmem>>
      %dma_start3A_101 = tpu.memref_squeeze %dma_start3A_100 : memref<1x128xi32, #tpu.memory_space<vmem>> -> memref<128xi32, #tpu.memory_space<vmem>>
      %dma_start3A_102 = tpu.memref_slice %arg3[%add3A_94] : memref<163840xi32, #tpu.memory_space<hbm>> -> memref<128xi32, #tpu.memory_space<hbm>>
      tpu.enqueue_dma source(%dma_start3A_102 : memref<128xi32, #tpu.memory_space<hbm>>) target(%dma_start3A_101 : memref<128xi32, #tpu.memory_space<vmem>>) target_semaphore(%arg10 : memref<!tpu.dma_semaphore, #tpu.memory_space<semaphore_mem>>)
      %mul3A_103 = arith.constant 4 : i32
      %mul3A_104 = arith.muli %scan3A_51, %mul3A_103 : i32
      %add3A_105 = arith.constant 3 : i32
      %add3A_106 = arith.addi %mul3A_104, %add3A_105 : i32
      %mul3A_107 = arith.constant 5120 : i32
      %mul3A_108 = arith.muli %add3A, %mul3A_107 : i32
      %mul3A_109 = arith.constant 128 : i32
      %mul3A_110 = arith.muli %add3A_106, %mul3A_109 : i32
      %add3A_111 = arith.addi %mul3A_108, %mul3A_110 : i32
      %dma_start3A_112 = arith.constant 0 : i32
      %dma_start3A_113 = tpu.memref_slice %arg5[%add3A_106, %dma_start3A_112] : memref<40x128xi32, #tpu.memory_space<vmem>> -> memref<1x128xi32, #tpu.memory_space<vmem>>
      %dma_start3A_114 = tpu.memref_squeeze %dma_start3A_113 : memref<1x128xi32, #tpu.memory_space<vmem>> -> memref<128xi32, #tpu.memory_space<vmem>>
      %dma_start3A_115 = tpu.memref_slice %arg3[%add3A_111] : memref<163840xi32, #tpu.memory_space<hbm>> -> memref<128xi32, #tpu.memory_space<hbm>>
      %dma_start3A_116 = arith.constant 0 : i32
      %dma_start3A_117 = tpu.memref_slice %arg5[%add3A_106, %dma_start3A_116] : memref<40x128xi32, #tpu.memory_space<vmem>> -> memref<1x128xi32, #tpu.memory_space<vmem>>
      %dma_start3A_118 = tpu.memref_squeeze %dma_start3A_117 : memref<1x128xi32, #tpu.memory_space<vmem>> -> memref<128xi32, #tpu.memory_space<vmem>>
      %dma_start3A_119 = tpu.memref_slice %arg3[%add3A_111] : memref<163840xi32, #tpu.memory_space<hbm>> -> memref<128xi32, #tpu.memory_space<hbm>>
      tpu.enqueue_dma source(%dma_start3A_119 : memref<128xi32, #tpu.memory_space<hbm>>) target(%dma_start3A_118 : memref<128xi32, #tpu.memory_space<vmem>>) target_semaphore(%arg10 : memref<!tpu.dma_semaphore, #tpu.memory_space<semaphore_mem>>)
    }
    %scan3A_5 = arith.constant 10 : i32
    %mul3A_6 = arith.constant 5120 : i32
    %mul3A_7 = arith.muli %add3A, %mul3A_6 : i32
    %dma_start3A = arith.constant 0 : i32
    %dma_start3A_8 = tpu.memref_slice %arg2[%mul3A_7, %dma_start3A] : memref<163840x16xf32, #tpu.memory_space<hbm>> -> memref<5120x16xf32, #tpu.memory_space<hbm>>
    %dma_start3A_9 = arith.constant 0 : i32
    %dma_start3A_10 = tpu.memref_slice %arg2[%mul3A_7, %dma_start3A_9] : memref<163840x16xf32, #tpu.memory_space<hbm>> -> memref<5120x16xf32, #tpu.memory_space<hbm>>
    tpu.enqueue_dma source(%dma_start3A_10 : memref<5120x16xf32, #tpu.memory_space<hbm>>) target(%arg6 : memref<5120x16xf32, #tpu.memory_space<vmem>>) target_semaphore(%arg9 : memref<!tpu.dma_semaphore, #tpu.memory_space<semaphore_mem>>)
    %broadcast_in_dim3A = arith.constant 0.000000e+00 : f32
    %broadcast_in_dim3A_11 = vector.broadcast %broadcast_in_dim3A : f32 to vector<16xf32>
    %scan3A_12 = arith.constant 0 : i32
    %scan3A_13 = arith.constant 0 : i32
    %scan3A_14 = arith.constant 80 : i32
    %scan3A_15 = arith.addi %scan3A_13, %scan3A_14 : i32
    %scan3A_16 = arith.constant 1 : i32
    scf.for %scan3A_51 = %scan3A_13 to %scan3A_15 step %scan3A_16  : i32 {
      %mul3A_52 = arith.constant 8 : i32
      %mul3A_53 = arith.muli %scan3A_51, %mul3A_52 : i32
      %add3A_54 = arith.constant 0 : i32
      %add3A_55 = arith.addi %mul3A_53, %add3A_54 : i32
      %swap3A = arith.index_cast %add3A_55 : i32 to index
      %swap3A_56 = arith.constant 0 : index
      %swap3A_57 = tpu.vector_load %arg7[%swap3A, %swap3A_56] {strides = array<i32>} : memref<640x16xf32, #tpu.memory_space<vmem>>, vector<1x16xf32>,
      %swap3A_58 = vector.shape_cast %swap3A_57 : vector<1x16xf32> to vector<16xf32>
      %swap3A_59 = vector.shape_cast %broadcast_in_dim3A_11 : vector<16xf32> to vector<1x16xf32>
      tpu.vector_store %arg7[%swap3A, %swap3A_56], %swap3A_59 {strides = array<i32>} : memref<640x16xf32, #tpu.memory_space<vmem>>, vector<1x16xf32>,
      %mul3A_60 = arith.constant 8 : i32
      %mul3A_61 = arith.muli %scan3A_51, %mul3A_60 : i32
      %add3A_62 = arith.constant 1 : i32
      %add3A_63 = arith.addi %mul3A_61, %add3A_62 : i32
      %swap3A_64 = arith.index_cast %add3A_63 : i32 to index
      %swap3A_65 = arith.constant 0 : index
      %swap3A_66 = tpu.vector_load %arg7[%swap3A_64, %swap3A_65] {strides = array<i32>} : memref<640x16xf32, #tpu.memory_space<vmem>>, vector<1x16xf32>,
      %swap3A_67 = vector.shape_cast %swap3A_66 : vector<1x16xf32> to vector<16xf32>
      %swap3A_68 = vector.shape_cast %broadcast_in_dim3A_11 : vector<16xf32> to vector<1x16xf32>
      tpu.vector_store %arg7[%swap3A_64, %swap3A_65], %swap3A_68 {strides = array<i32>} : memref<640x16xf32, #tpu.memory_space<vmem>>, vector<1x16xf32>,
      %mul3A_69 = arith.constant 8 : i32
      %mul3A_70 = arith.muli %scan3A_51, %mul3A_69 : i32
      %add3A_71 = arith.constant 2 : i32
      %add3A_72 = arith.addi %mul3A_70, %add3A_71 : i32
      %swap3A_73 = arith.index_cast %add3A_72 : i32 to index
      %swap3A_74 = arith.constant 0 : index
      %swap3A_75 = tpu.vector_load %arg7[%swap3A_73, %swap3A_74] {strides = array<i32>} : memref<640x16xf32, #tpu.memory_space<vmem>>, vector<1x16xf32>,
      %swap3A_76 = vector.shape_cast %swap3A_75 : vector<1x16xf32> to vector<16xf32>
      %swap3A_77 = vector.shape_cast %broadcast_in_dim3A_11 : vector<16xf32> to vector<1x16xf32>
      tpu.vector_store %arg7[%swap3A_73, %swap3A_74], %swap3A_77 {strides = array<i32>} : memref<640x16xf32, #tpu.memory_space<vmem>>, vector<1x16xf32>,
      %mul3A_78 = arith.constant 8 : i32
      %mul3A_79 = arith.muli %scan3A_51, %mul3A_78 : i32
      %add3A_80 = arith.constant 3 : i32
      %add3A_81 = arith.addi %mul3A_79, %add3A_80 : i32
      %swap3A_82 = arith.index_cast %add3A_81 : i32 to index
      %swap3A_83 = arith.constant 0 : index
      %swap3A_84 = tpu.vector_load %arg7[%swap3A_82, %swap3A_83] {strides = array<i32>} : memref<640x16xf32, #tpu.memory_space<vmem>>, vector<1x16xf32>,
      %swap3A_85 = vector.shape_cast %swap3A_84 : vector<1x16xf32> to vector<16xf32>
      %swap3A_86 = vector.shape_cast %broadcast_in_dim3A_11 : vector<16xf32> to vector<1x16xf32>
      tpu.vector_store %arg7[%swap3A_82, %swap3A_83], %swap3A_86 {strides = array<i32>} : memref<640x16xf32, #tpu.memory_space<vmem>>, vector<1x16xf32>,
      %mul3A_87 = arith.constant 8 : i32
      %mul3A_88 = arith.muli %scan3A_51, %mul3A_87 : i32
      %add3A_89 = arith.constant 4 : i32
      %add3A_90 = arith.addi %mul3A_88, %add3A_89 : i32
      %swap3A_91 = arith.index_cast %add3A_90 : i32 to index
      %swap3A_92 = arith.constant 0 : index
      %swap3A_93 = tpu.vector_load %arg7[%swap3A_91, %swap3A_92] {strides = array<i32>} : memref<640x16xf32, #tpu.memory_space<vmem>>, vector<1x16xf32>,
      %swap3A_94 = vector.shape_cast %swap3A_93 : vector<1x16xf32> to vector<16xf32>
      %swap3A_95 = vector.shape_cast %broadcast_in_dim3A_11 : vector<16xf32> to vector<1x16xf32>
      tpu.vector_store %arg7[%swap3A_91, %swap3A_92], %swap3A_95 {strides = array<i32>} : memref<640x16xf32, #tpu.memory_space<vmem>>, vector<1x16xf32>,
      %mul3A_96 = arith.constant 8 : i32
      %mul3A_97 = arith.muli %scan3A_51, %mul3A_96 : i32
      %add3A_98 = arith.constant 5 : i32
      %add3A_99 = arith.addi %mul3A_97, %add3A_98 : i32
      %swap3A_100 = arith.index_cast %add3A_99 : i32 to index
      %swap3A_101 = arith.constant 0 : index
      %swap3A_102 = tpu.vector_load %arg7[%swap3A_100, %swap3A_101] {strides = array<i32>} : memref<640x16xf32, #tpu.memory_space<vmem>>, vector<1x16xf32>,
      %swap3A_103 = vector.shape_cast %swap3A_102 : vector<1x16xf32> to vector<16xf32>
      %swap3A_104 = vector.shape_cast %broadcast_in_dim3A_11 : vector<16xf32> to vector<1x16xf32>
      tpu.vector_store %arg7[%swap3A_100, %swap3A_101], %swap3A_104 {strides = array<i32>} : memref<640x16xf32, #tpu.memory_space<vmem>>, vector<1x16xf32>,
      %mul3A_105 = arith.constant 8 : i32
      %mul3A_106 = arith.muli %scan3A_51, %mul3A_105 : i32
      %add3A_107 = arith.constant 6 : i32
      %add3A_108 = arith.addi %mul3A_106, %add3A_107 : i32
      %swap3A_109 = arith.index_cast %add3A_108 : i32 to index
      %swap3A_110 = arith.constant 0 : index
      %swap3A_111 = tpu.vector_load %arg7[%swap3A_109, %swap3A_110] {strides = array<i32>} : memref<640x16xf32, #tpu.memory_space<vmem>>, vector<1x16xf32>,
      %swap3A_112 = vector.shape_cast %swap3A_111 : vector<1x16xf32> to vector<16xf32>
      %swap3A_113 = vector.shape_cast %broadcast_in_dim3A_11 : vector<16xf32> to vector<1x16xf32>
      tpu.vector_store %arg7[%swap3A_109, %swap3A_110], %swap3A_113 {strides = array<i32>} : memref<640x16xf32, #tpu.memory_space<vmem>>, vector<1x16xf32>,
      %mul3A_114 = arith.constant 8 : i32
      %mul3A_115 = arith.muli %scan3A_51, %mul3A_114 : i32
      %add3A_116 = arith.constant 7 : i32
      %add3A_117 = arith.addi %mul3A_115, %add3A_116 : i32
      %swap3A_118 = arith.index_cast %add3A_117 : i32 to index
      %swap3A_119 = arith.constant 0 : index
      %swap3A_120 = tpu.vector_load %arg7[%swap3A_118, %swap3A_119] {strides = array<i32>} : memref<640x16xf32, #tpu.memory_space<vmem>>, vector<1x16xf32>,
      %swap3A_121 = vector.shape_cast %swap3A_120 : vector<1x16xf32> to vector<16xf32>
      %swap3A_122 = vector.shape_cast %broadcast_in_dim3A_11 : vector<16xf32> to vector<1x16xf32>
      tpu.vector_store %arg7[%swap3A_118, %swap3A_119], %swap3A_122 {strides = array<i32>} : memref<640x16xf32, #tpu.memory_space<vmem>>, vector<1x16xf32>,
    }
    %scan3A_17 = arith.constant 80 : i32
    %scan3A_18 = arith.constant 0 : i32
    %scan3A_19 = arith.constant 0 : i32
    %scan3A_20 = arith.constant 10 : i32
    %scan3A_21 = arith.addi %scan3A_19, %scan3A_20 : i32
    %scan3A_22 = arith.constant 1 : i32
    scf.for %scan3A_51 = %scan3A_19 to %scan3A_21 step %scan3A_22  : i32 {
      %mul3A_52 = arith.constant 4 : i32
      %mul3A_53 = arith.muli %scan3A_51, %mul3A_52 : i32
      %add3A_54 = arith.constant 0 : i32
      %add3A_55 = arith.addi %mul3A_53, %add3A_54 : i32
      %mul3A_56 = arith.constant 5120 : i32
      %mul3A_57 = arith.muli %add3A, %mul3A_56 : i32
      %mul3A_58 = arith.constant 128 : i32
      %mul3A_59 = arith.muli %add3A_55, %mul3A_58 : i32
      %add3A_60 = arith.addi %mul3A_57, %mul3A_59 : i32
      %dma_wait3A_61 = arith.constant 0 : i32
      %dma_wait3A_62 = tpu.memref_slice %arg5[%add3A_55, %dma_wait3A_61] : memref<40x128xi32, #tpu.memory_space<vmem>> -> memref<1x128xi32, #tpu.memory_space<vmem>>
      %dma_wait3A_63 = tpu.memref_squeeze %dma_wait3A_62 : memref<1x128xi32, #tpu.memory_space<vmem>> -> memref<128xi32, #tpu.memory_space<vmem>>
      %dma_wait3A_64 = tpu.memref_slice %arg3[%add3A_60] : memref<163840xi32, #tpu.memory_space<hbm>> -> memref<128xi32, #tpu.memory_space<hbm>>
      %dma_wait3A_65 = arith.constant 0 : i32
      %dma_wait3A_66 = tpu.memref_slice %arg5[%add3A_55, %dma_wait3A_65] : memref<40x128xi32, #tpu.memory_space<vmem>> -> memref<1x128xi32, #tpu.memory_space<vmem>>
      %dma_wait3A_67 = tpu.memref_squeeze %dma_wait3A_66 : memref<1x128xi32, #tpu.memory_space<vmem>> -> memref<128xi32, #tpu.memory_space<vmem>>
      %dma_wait3A_68 = tpu.memref_slice %arg3[%add3A_60] : memref<163840xi32, #tpu.memory_space<hbm>> -> memref<128xi32, #tpu.memory_space<hbm>>
      tpu.wait_dma2 semaphore(%arg10 : memref<!tpu.dma_semaphore, #tpu.memory_space<semaphore_mem>>) src(%dma_wait3A_68 : memref<128xi32, #tpu.memory_space<hbm>>) dst(%dma_wait3A_67 : memref<128xi32, #tpu.memory_space<vmem>>)
      %mul3A_69 = arith.constant 4 : i32
      %mul3A_70 = arith.muli %scan3A_51, %mul3A_69 : i32
      %add3A_71 = arith.constant 1 : i32
      %add3A_72 = arith.addi %mul3A_70, %add3A_71 : i32
      %mul3A_73 = arith.constant 5120 : i32
      %mul3A_74 = arith.muli %add3A, %mul3A_73 : i32
      %mul3A_75 = arith.constant 128 : i32
      %mul3A_76 = arith.muli %add3A_72, %mul3A_75 : i32
      %add3A_77 = arith.addi %mul3A_74, %mul3A_76 : i32
      %dma_wait3A_78 = arith.constant 0 : i32
      %dma_wait3A_79 = tpu.memref_slice %arg5[%add3A_72, %dma_wait3A_78] : memref<40x128xi32, #tpu.memory_space<vmem>> -> memref<1x128xi32, #tpu.memory_space<vmem>>
      %dma_wait3A_80 = tpu.memref_squeeze %dma_wait3A_79 : memref<1x128xi32, #tpu.memory_space<vmem>> -> memref<128xi32, #tpu.memory_space<vmem>>
      %dma_wait3A_81 = tpu.memref_slice %arg3[%add3A_77] : memref<163840xi32, #tpu.memory_space<hbm>> -> memref<128xi32, #tpu.memory_space<hbm>>
      %dma_wait3A_82 = arith.constant 0 : i32
      %dma_wait3A_83 = tpu.memref_slice %arg5[%add3A_72, %dma_wait3A_82] : memref<40x128xi32, #tpu.memory_space<vmem>> -> memref<1x128xi32, #tpu.memory_space<vmem>>
      %dma_wait3A_84 = tpu.memref_squeeze %dma_wait3A_83 : memref<1x128xi32, #tpu.memory_space<vmem>> -> memref<128xi32, #tpu.memory_space<vmem>>
      %dma_wait3A_85 = tpu.memref_slice %arg3[%add3A_77] : memref<163840xi32, #tpu.memory_space<hbm>> -> memref<128xi32, #tpu.memory_space<hbm>>
      tpu.wait_dma2 semaphore(%arg10 : memref<!tpu.dma_semaphore, #tpu.memory_space<semaphore_mem>>) src(%dma_wait3A_85 : memref<128xi32, #tpu.memory_space<hbm>>) dst(%dma_wait3A_84 : memref<128xi32, #tpu.memory_space<vmem>>)
      %mul3A_86 = arith.constant 4 : i32
      %mul3A_87 = arith.muli %scan3A_51, %mul3A_86 : i32
      %add3A_88 = arith.constant 2 : i32
      %add3A_89 = arith.addi %mul3A_87, %add3A_88 : i32
      %mul3A_90 = arith.constant 5120 : i32
      %mul3A_91 = arith.muli %add3A, %mul3A_90 : i32
      %mul3A_92 = arith.constant 128 : i32
      %mul3A_93 = arith.muli %add3A_89, %mul3A_92 : i32
      %add3A_94 = arith.addi %mul3A_91, %mul3A_93 : i32
      %dma_wait3A_95 = arith.constant 0 : i32
      %dma_wait3A_96 = tpu.memref_slice %arg5[%add3A_89, %dma_wait3A_95] : memref<40x128xi32, #tpu.memory_space<vmem>> -> memref<1x128xi32, #tpu.memory_space<vmem>>
      %dma_wait3A_97 = tpu.memref_squeeze %dma_wait3A_96 : memref<1x128xi32, #tpu.memory_space<vmem>> -> memref<128xi32, #tpu.memory_space<vmem>>
      %dma_wait3A_98 = tpu.memref_slice %arg3[%add3A_94] : memref<163840xi32, #tpu.memory_space<hbm>> -> memref<128xi32, #tpu.memory_space<hbm>>
      %dma_wait3A_99 = arith.constant 0 : i32
      %dma_wait3A_100 = tpu.memref_slice %arg5[%add3A_89, %dma_wait3A_99] : memref<40x128xi32, #tpu.memory_space<vmem>> -> memref<1x128xi32, #tpu.memory_space<vmem>>
      %dma_wait3A_101 = tpu.memref_squeeze %dma_wait3A_100 : memref<1x128xi32, #tpu.memory_space<vmem>> -> memref<128xi32, #tpu.memory_space<vmem>>
      %dma_wait3A_102 = tpu.memref_slice %arg3[%add3A_94] : memref<163840xi32, #tpu.memory_space<hbm>> -> memref<128xi32, #tpu.memory_space<hbm>>
      tpu.wait_dma2 semaphore(%arg10 : memref<!tpu.dma_semaphore, #tpu.memory_space<semaphore_mem>>) src(%dma_wait3A_102 : memref<128xi32, #tpu.memory_space<hbm>>) dst(%dma_wait3A_101 : memref<128xi32, #tpu.memory_space<vmem>>)
      %mul3A_103 = arith.constant 4 : i32
      %mul3A_104 = arith.muli %scan3A_51, %mul3A_103 : i32
      %add3A_105 = arith.constant 3 : i32
      %add3A_106 = arith.addi %mul3A_104, %add3A_105 : i32
      %mul3A_107 = arith.constant 5120 : i32
      %mul3A_108 = arith.muli %add3A, %mul3A_107 : i32
      %mul3A_109 = arith.constant 128 : i32
      %mul3A_110 = arith.muli %add3A_106, %mul3A_109 : i32
      %add3A_111 = arith.addi %mul3A_108, %mul3A_110 : i32
      %dma_wait3A_112 = arith.constant 0 : i32
      %dma_wait3A_113 = tpu.memref_slice %arg5[%add3A_106, %dma_wait3A_112] : memref<40x128xi32, #tpu.memory_space<vmem>> -> memref<1x128xi32, #tpu.memory_space<vmem>>
      %dma_wait3A_114 = tpu.memref_squeeze %dma_wait3A_113 : memref<1x128xi32, #tpu.memory_space<vmem>> -> memref<128xi32, #tpu.memory_space<vmem>>
      %dma_wait3A_115 = tpu.memref_slice %arg3[%add3A_111] : memref<163840xi32, #tpu.memory_space<hbm>> -> memref<128xi32, #tpu.memory_space<hbm>>
      %dma_wait3A_116 = arith.constant 0 : i32
      %dma_wait3A_117 = tpu.memref_slice %arg5[%add3A_106, %dma_wait3A_116] : memref<40x128xi32, #tpu.memory_space<vmem>> -> memref<1x128xi32, #tpu.memory_space<vmem>>
      %dma_wait3A_118 = tpu.memref_squeeze %dma_wait3A_117 : memref<1x128xi32, #tpu.memory_space<vmem>> -> memref<128xi32, #tpu.memory_space<vmem>>
      %dma_wait3A_119 = tpu.memref_slice %arg3[%add3A_111] : memref<163840xi32, #tpu.memory_space<hbm>> -> memref<128xi32, #tpu.memory_space<hbm>>
      tpu.wait_dma2 semaphore(%arg10 : memref<!tpu.dma_semaphore, #tpu.memory_space<semaphore_mem>>) src(%dma_wait3A_119 : memref<128xi32, #tpu.memory_space<hbm>>) dst(%dma_wait3A_118 : memref<128xi32, #tpu.memory_space<vmem>>)
    }
    %scan3A_23 = arith.constant 10 : i32
    %dma_wait3A = arith.constant 0 : i32
    %dma_wait3A_24 = arith.constant 0 : i32
    %dma_wait3A_25 = tpu.memref_slice %arg2[%dma_wait3A, %dma_wait3A_24] : memref<163840x16xf32, #tpu.memory_space<hbm>> -> memref<5120x16xf32, #tpu.memory_space<hbm>>
    %dma_wait3A_26 = arith.constant 0 : i32
    %dma_wait3A_27 = arith.constant 0 : i32
    %dma_wait3A_28 = tpu.memref_slice %arg2[%dma_wait3A_26, %dma_wait3A_27] : memref<163840x16xf32, #tpu.memory_space<hbm>> -> memref<5120x16xf32, #tpu.memory_space<hbm>>
    tpu.wait_dma2 semaphore(%arg9 : memref<!tpu.dma_semaphore, #tpu.memory_space<semaphore_mem>>) src(%dma_wait3A_28 : memref<5120x16xf32, #tpu.memory_space<hbm>>) dst(%arg6 : memref<5120x16xf32, #tpu.memory_space<vmem>>)
    %mul3A_29 = arith.constant 640 : i32
    %mul3A_30 = arith.muli %arg1, %mul3A_29 : i32
    "tpu.region"() ({
      %run_scoped3A = tpu.sem_alloc : memref<!tpu.dma_semaphore, #tpu.memory_space<semaphore_mem>>
      %dma_start3A_51 = arith.constant 0 : i32
      %dma_start3A_52 = tpu.memref_slice %arg8[%mul3A_30, %dma_start3A_51] : memref<10240x16xf32, #tpu.memory_space<vmem_shared>> -> memref<640x16xf32, #tpu.memory_space<vmem_shared>>
      %dma_start3A_53 = arith.constant 0 : i32
      %dma_start3A_54 = tpu.memref_slice %arg8[%mul3A_30, %dma_start3A_53] : memref<10240x16xf32, #tpu.memory_space<vmem_shared>> -> memref<640x16xf32, #tpu.memory_space<vmem_shared>>
      tpu.enqueue_dma source(%arg7 : memref<640x16xf32, #tpu.memory_space<vmem>>) target(%dma_start3A_54 : memref<640x16xf32, #tpu.memory_space<vmem_shared>>) target_semaphore(%run_scoped3A : memref<!tpu.dma_semaphore, #tpu.memory_space<semaphore_mem>>)
      %dma_wait3A_55 = arith.constant 0 : i32
      %dma_wait3A_56 = tpu.memref_slice %arg8[%mul3A_30, %dma_wait3A_55] : memref<10240x16xf32, #tpu.memory_space<vmem_shared>> -> memref<640x16xf32, #tpu.memory_space<vmem_shared>>
      %dma_wait3A_57 = arith.constant 0 : i32
      %dma_wait3A_58 = tpu.memref_slice %arg8[%mul3A_30, %dma_wait3A_57] : memref<10240x16xf32, #tpu.memory_space<vmem_shared>> -> memref<640x16xf32, #tpu.memory_space<vmem_shared>>
      tpu.wait_dma2 semaphore(%run_scoped3A : memref<!tpu.dma_semaphore, #tpu.memory_space<semaphore_mem>>) src(%arg7 : memref<640x16xf32, #tpu.memory_space<vmem>>) dst(%dma_wait3A_58 : memref<640x16xf32, #tpu.memory_space<vmem_shared>>)
      tpu.yield
    }) : () -> ()
    %barrier3A = arith.constant 0 : index
    tpu.barrier barrier_id(%barrier3A)
    %scan3A_31 = arith.constant 0 : i32
    %scan3A_32 = arith.constant 0 : i32
    %scan3A_33 = arith.constant 5 : i32
    %scan3A_34 = arith.addi %scan3A_32, %scan3A_33 : i32
    %scan3A_35 = arith.constant 1 : i32
    scf.for %scan3A_51 = %scan3A_32 to %scan3A_34 step %scan3A_35  : i32 {
      %mul3A_52 = arith.constant 8 : i32
      %mul3A_53 = arith.muli %scan3A_51, %mul3A_52 : i32
      %add3A_54 = arith.constant 0 : i32
      %add3A_55 = arith.addi %mul3A_53, %add3A_54 : i32
      %mul3A_56 = arith.constant 128 : i32
      %mul3A_57 = arith.muli %add3A_55, %mul3A_56 : i32
      %dma_start3A_58 = arith.constant 0 : i32
      %dma_start3A_59 = tpu.memref_slice %arg6[%mul3A_57, %dma_start3A_58] : memref<5120x16xf32, #tpu.memory_space<vmem>> -> memref<128x16xf32, #tpu.memory_space<vmem>>
      %dma_start3A_60 = arith.constant 0 : i32
      %dma_start3A_61 = tpu.memref_slice %arg5[%add3A_55, %dma_start3A_60] : memref<40x128xi32, #tpu.memory_space<vmem>> -> memref<1x128xi32, #tpu.memory_space<vmem>>
      %dma_start3A_62 = tpu.memref_squeeze %dma_start3A_61 : memref<1x128xi32, #tpu.memory_space<vmem>> -> memref<128xi32, #tpu.memory_space<vmem>>
      %dma_start3A_63 = arith.constant 0 : i32
      %dma_start3A_64 = arith.constant 0 : i32
      %dma_start3A_65 = tpu.memref_slice %arg8[%dma_start3A_63, %dma_start3A_64] : memref<10240x16xf32, #tpu.memory_space<vmem_shared>> -> memref<10240x16xf32, #tpu.memory_space<vmem_shared>>
      tpu.enqueue_indirect_dma source(%dma_start3A_59 : memref<128x16xf32, #tpu.memory_space<vmem>>) target(%dma_start3A_65 : memref<10240x16xf32, #tpu.memory_space<vmem_shared>>) offsets(%dma_start3A_62 : memref<128xi32, #tpu.memory_space<vmem>>) semaphore(%arg9 : memref<!tpu.dma_semaphore, #tpu.memory_space<semaphore_mem>>) {add = true}
      %mul3A_66 = arith.constant 8 : i32
      %mul3A_67 = arith.muli %scan3A_51, %mul3A_66 : i32
      %add3A_68 = arith.constant 1 : i32
      %add3A_69 = arith.addi %mul3A_67, %add3A_68 : i32
      %mul3A_70 = arith.constant 128 : i32
      %mul3A_71 = arith.muli %add3A_69, %mul3A_70 : i32
      %dma_start3A_72 = arith.constant 0 : i32
      %dma_start3A_73 = tpu.memref_slice %arg6[%mul3A_71, %dma_start3A_72] : memref<5120x16xf32, #tpu.memory_space<vmem>> -> memref<128x16xf32, #tpu.memory_space<vmem>>
      %dma_start3A_74 = arith.constant 0 : i32
      %dma_start3A_75 = tpu.memref_slice %arg5[%add3A_69, %dma_start3A_74] : memref<40x128xi32, #tpu.memory_space<vmem>> -> memref<1x128xi32, #tpu.memory_space<vmem>>
      %dma_start3A_76 = tpu.memref_squeeze %dma_start3A_75 : memref<1x128xi32, #tpu.memory_space<vmem>> -> memref<128xi32, #tpu.memory_space<vmem>>
      %dma_start3A_77 = arith.constant 0 : i32
      %dma_start3A_78 = arith.constant 0 : i32
      %dma_start3A_79 = tpu.memref_slice %arg8[%dma_start3A_77, %dma_start3A_78] : memref<10240x16xf32, #tpu.memory_space<vmem_shared>> -> memref<10240x16xf32, #tpu.memory_space<vmem_shared>>
      tpu.enqueue_indirect_dma source(%dma_start3A_73 : memref<128x16xf32, #tpu.memory_space<vmem>>) target(%dma_start3A_79 : memref<10240x16xf32, #tpu.memory_space<vmem_shared>>) offsets(%dma_start3A_76 : memref<128xi32, #tpu.memory_space<vmem>>) semaphore(%arg9 : memref<!tpu.dma_semaphore, #tpu.memory_space<semaphore_mem>>) {add = true}
      %mul3A_80 = arith.constant 8 : i32
      %mul3A_81 = arith.muli %scan3A_51, %mul3A_80 : i32
      %add3A_82 = arith.constant 2 : i32
      %add3A_83 = arith.addi %mul3A_81, %add3A_82 : i32
      %mul3A_84 = arith.constant 128 : i32
      %mul3A_85 = arith.muli %add3A_83, %mul3A_84 : i32
      %dma_start3A_86 = arith.constant 0 : i32
      %dma_start3A_87 = tpu.memref_slice %arg6[%mul3A_85, %dma_start3A_86] : memref<5120x16xf32, #tpu.memory_space<vmem>> -> memref<128x16xf32, #tpu.memory_space<vmem>>
      %dma_start3A_88 = arith.constant 0 : i32
      %dma_start3A_89 = tpu.memref_slice %arg5[%add3A_83, %dma_start3A_88] : memref<40x128xi32, #tpu.memory_space<vmem>> -> memref<1x128xi32, #tpu.memory_space<vmem>>
      %dma_start3A_90 = tpu.memref_squeeze %dma_start3A_89 : memref<1x128xi32, #tpu.memory_space<vmem>> -> memref<128xi32, #tpu.memory_space<vmem>>
      %dma_start3A_91 = arith.constant 0 : i32
      %dma_start3A_92 = arith.constant 0 : i32
      %dma_start3A_93 = tpu.memref_slice %arg8[%dma_start3A_91, %dma_start3A_92] : memref<10240x16xf32, #tpu.memory_space<vmem_shared>> -> memref<10240x16xf32, #tpu.memory_space<vmem_shared>>
      tpu.enqueue_indirect_dma source(%dma_start3A_87 : memref<128x16xf32, #tpu.memory_space<vmem>>) target(%dma_start3A_93 : memref<10240x16xf32, #tpu.memory_space<vmem_shared>>) offsets(%dma_start3A_90 : memref<128xi32, #tpu.memory_space<vmem>>) semaphore(%arg9 : memref<!tpu.dma_semaphore, #tpu.memory_space<semaphore_mem>>) {add = true}
      %mul3A_94 = arith.constant 8 : i32
      %mul3A_95 = arith.muli %scan3A_51, %mul3A_94 : i32
      %add3A_96 = arith.constant 3 : i32
      %add3A_97 = arith.addi %mul3A_95, %add3A_96 : i32
      %mul3A_98 = arith.constant 128 : i32
      %mul3A_99 = arith.muli %add3A_97, %mul3A_98 : i32
      %dma_start3A_100 = arith.constant 0 : i32
      %dma_start3A_101 = tpu.memref_slice %arg6[%mul3A_99, %dma_start3A_100] : memref<5120x16xf32, #tpu.memory_space<vmem>> -> memref<128x16xf32, #tpu.memory_space<vmem>>
      %dma_start3A_102 = arith.constant 0 : i32
      %dma_start3A_103 = tpu.memref_slice %arg5[%add3A_97, %dma_start3A_102] : memref<40x128xi32, #tpu.memory_space<vmem>> -> memref<1x128xi32, #tpu.memory_space<vmem>>
      %dma_start3A_104 = tpu.memref_squeeze %dma_start3A_103 : memref<1x128xi32, #tpu.memory_space<vmem>> -> memref<128xi32, #tpu.memory_space<vmem>>
      %dma_start3A_105 = arith.constant 0 : i32
      %dma_start3A_106 = arith.constant 0 : i32
      %dma_start3A_107 = tpu.memref_slice %arg8[%dma_start3A_105, %dma_start3A_106] : memref<10240x16xf32, #tpu.memory_space<vmem_shared>> -> memref<10240x16xf32, #tpu.memory_space<vmem_shared>>
      tpu.enqueue_indirect_dma source(%dma_start3A_101 : memref<128x16xf32, #tpu.memory_space<vmem>>) target(%dma_start3A_107 : memref<10240x16xf32, #tpu.memory_space<vmem_shared>>) offsets(%dma_start3A_104 : memref<128xi32, #tpu.memory_space<vmem>>) semaphore(%arg9 : memref<!tpu.dma_semaphore, #tpu.memory_space<semaphore_mem>>) {add = true}
      %mul3A_108 = arith.constant 8 : i32
      %mul3A_109 = arith.muli %scan3A_51, %mul3A_108 : i32
      %add3A_110 = arith.constant 4 : i32
      %add3A_111 = arith.addi %mul3A_109, %add3A_110 : i32
      %mul3A_112 = arith.constant 128 : i32
      %mul3A_113 = arith.muli %add3A_111, %mul3A_112 : i32
      %dma_start3A_114 = arith.constant 0 : i32
      %dma_start3A_115 = tpu.memref_slice %arg6[%mul3A_113, %dma_start3A_114] : memref<5120x16xf32, #tpu.memory_space<vmem>> -> memref<128x16xf32, #tpu.memory_space<vmem>>
      %dma_start3A_116 = arith.constant 0 : i32
      %dma_start3A_117 = tpu.memref_slice %arg5[%add3A_111, %dma_start3A_116] : memref<40x128xi32, #tpu.memory_space<vmem>> -> memref<1x128xi32, #tpu.memory_space<vmem>>
      %dma_start3A_118 = tpu.memref_squeeze %dma_start3A_117 : memref<1x128xi32, #tpu.memory_space<vmem>> -> memref<128xi32, #tpu.memory_space<vmem>>
      %dma_start3A_119 = arith.constant 0 : i32
      %dma_start3A_120 = arith.constant 0 : i32
      %dma_start3A_121 = tpu.memref_slice %arg8[%dma_start3A_119, %dma_start3A_120] : memref<10240x16xf32, #tpu.memory_space<vmem_shared>> -> memref<10240x16xf32, #tpu.memory_space<vmem_shared>>
      tpu.enqueue_indirect_dma source(%dma_start3A_115 : memref<128x16xf32, #tpu.memory_space<vmem>>) target(%dma_start3A_121 : memref<10240x16xf32, #tpu.memory_space<vmem_shared>>) offsets(%dma_start3A_118 : memref<128xi32, #tpu.memory_space<vmem>>) semaphore(%arg9 : memref<!tpu.dma_semaphore, #tpu.memory_space<semaphore_mem>>) {add = true}
      %mul3A_122 = arith.constant 8 : i32
      %mul3A_123 = arith.muli %scan3A_51, %mul3A_122 : i32
      %add3A_124 = arith.constant 5 : i32
      %add3A_125 = arith.addi %mul3A_123, %add3A_124 : i32
      %mul3A_126 = arith.constant 128 : i32
      %mul3A_127 = arith.muli %add3A_125, %mul3A_126 : i32
      %dma_start3A_128 = arith.constant 0 : i32
      %dma_start3A_129 = tpu.memref_slice %arg6[%mul3A_127, %dma_start3A_128] : memref<5120x16xf32, #tpu.memory_space<vmem>> -> memref<128x16xf32, #tpu.memory_space<vmem>>
      %dma_start3A_130 = arith.constant 0 : i32
      %dma_start3A_131 = tpu.memref_slice %arg5[%add3A_125, %dma_start3A_130] : memref<40x128xi32, #tpu.memory_space<vmem>> -> memref<1x128xi32, #tpu.memory_space<vmem>>
      %dma_start3A_132 = tpu.memref_squeeze %dma_start3A_131 : memref<1x128xi32, #tpu.memory_space<vmem>> -> memref<128xi32, #tpu.memory_space<vmem>>
      %dma_start3A_133 = arith.constant 0 : i32
      %dma_start3A_134 = arith.constant 0 : i32
      %dma_start3A_135 = tpu.memref_slice %arg8[%dma_start3A_133, %dma_start3A_134] : memref<10240x16xf32, #tpu.memory_space<vmem_shared>> -> memref<10240x16xf32, #tpu.memory_space<vmem_shared>>
      tpu.enqueue_indirect_dma source(%dma_start3A_129 : memref<128x16xf32, #tpu.memory_space<vmem>>) target(%dma_start3A_135 : memref<10240x16xf32, #tpu.memory_space<vmem_shared>>) offsets(%dma_start3A_132 : memref<128xi32, #tpu.memory_space<vmem>>) semaphore(%arg9 : memref<!tpu.dma_semaphore, #tpu.memory_space<semaphore_mem>>) {add = true}
      %mul3A_136 = arith.constant 8 : i32
      %mul3A_137 = arith.muli %scan3A_51, %mul3A_136 : i32
      %add3A_138 = arith.constant 6 : i32
      %add3A_139 = arith.addi %mul3A_137, %add3A_138 : i32
      %mul3A_140 = arith.constant 128 : i32
      %mul3A_141 = arith.muli %add3A_139, %mul3A_140 : i32
      %dma_start3A_142 = arith.constant 0 : i32
      %dma_start3A_143 = tpu.memref_slice %arg6[%mul3A_141, %dma_start3A_142] : memref<5120x16xf32, #tpu.memory_space<vmem>> -> memref<128x16xf32, #tpu.memory_space<vmem>>
      %dma_start3A_144 = arith.constant 0 : i32
      %dma_start3A_145 = tpu.memref_slice %arg5[%add3A_139, %dma_start3A_144] : memref<40x128xi32, #tpu.memory_space<vmem>> -> memref<1x128xi32, #tpu.memory_space<vmem>>
      %dma_start3A_146 = tpu.memref_squeeze %dma_start3A_145 : memref<1x128xi32, #tpu.memory_space<vmem>> -> memref<128xi32, #tpu.memory_space<vmem>>
      %dma_start3A_147 = arith.constant 0 : i32
      %dma_start3A_148 = arith.constant 0 : i32
      %dma_start3A_149 = tpu.memref_slice %arg8[%dma_start3A_147, %dma_start3A_148] : memref<10240x16xf32, #tpu.memory_space<vmem_shared>> -> memref<10240x16xf32, #tpu.memory_space<vmem_shared>>
      tpu.enqueue_indirect_dma source(%dma_start3A_143 : memref<128x16xf32, #tpu.memory_space<vmem>>) target(%dma_start3A_149 : memref<10240x16xf32, #tpu.memory_space<vmem_shared>>) offsets(%dma_start3A_146 : memref<128xi32, #tpu.memory_space<vmem>>) semaphore(%arg9 : memref<!tpu.dma_semaphore, #tpu.memory_space<semaphore_mem>>) {add = true}
      %mul3A_150 = arith.constant 8 : i32
      %mul3A_151 = arith.muli %scan3A_51, %mul3A_150 : i32
      %add3A_152 = arith.constant 7 : i32
      %add3A_153 = arith.addi %mul3A_151, %add3A_152 : i32
      %mul3A_154 = arith.constant 128 : i32
      %mul3A_155 = arith.muli %add3A_153, %mul3A_154 : i32
      %dma_start3A_156 = arith.constant 0 : i32
      %dma_start3A_157 = tpu.memref_slice %arg6[%mul3A_155, %dma_start3A_156] : memref<5120x16xf32, #tpu.memory_space<vmem>> -> memref<128x16xf32, #tpu.memory_space<vmem>>
      %dma_start3A_158 = arith.constant 0 : i32
      %dma_start3A_159 = tpu.memref_slice %arg5[%add3A_153, %dma_start3A_158] : memref<40x128xi32, #tpu.memory_space<vmem>> -> memref<1x128xi32, #tpu.memory_space<vmem>>
      %dma_start3A_160 = tpu.memref_squeeze %dma_start3A_159 : memref<1x128xi32, #tpu.memory_space<vmem>> -> memref<128xi32, #tpu.memory_space<vmem>>
      %dma_start3A_161 = arith.constant 0 : i32
      %dma_start3A_162 = arith.constant 0 : i32
      %dma_start3A_163 = tpu.memref_slice %arg8[%dma_start3A_161, %dma_start3A_162] : memref<10240x16xf32, #tpu.memory_space<vmem_shared>> -> memref<10240x16xf32, #tpu.memory_space<vmem_shared>>
      tpu.enqueue_indirect_dma source(%dma_start3A_157 : memref<128x16xf32, #tpu.memory_space<vmem>>) target(%dma_start3A_163 : memref<10240x16xf32, #tpu.memory_space<vmem_shared>>) offsets(%dma_start3A_160 : memref<128xi32, #tpu.memory_space<vmem>>) semaphore(%arg9 : memref<!tpu.dma_semaphore, #tpu.memory_space<semaphore_mem>>) {add = true}
    }
    %scan3A_36 = arith.constant 5 : i32
    %dma_wait3A_37 = arith.constant 0 : i32
    %dma_wait3A_38 = arith.constant 0 : i32
    %dma_wait3A_39 = tpu.memref_slice %arg8[%dma_wait3A_37, %dma_wait3A_38] : memref<10240x16xf32, #tpu.memory_space<vmem_shared>> -> memref<5120x16xf32, #tpu.memory_space<vmem_shared>>
    %dma_wait3A_40 = arith.constant 0 : i32
    %dma_wait3A_41 = arith.constant 0 : i32
    %dma_wait3A_42 = tpu.memref_slice %arg8[%dma_wait3A_40, %dma_wait3A_41] : memref<10240x16xf32, #tpu.memory_space<vmem_shared>> -> memref<5120x16xf32, #tpu.memory_space<vmem_shared>>
    tpu.wait_dma2 semaphore(%arg9 : memref<!tpu.dma_semaphore, #tpu.memory_space<semaphore_mem>>) src(%arg6 : memref<5120x16xf32, #tpu.memory_space<vmem>>) dst(%dma_wait3A_42 : memref<5120x16xf32, #tpu.memory_space<vmem_shared>>)
    %barrier3A_43 = arith.constant 0 : index
    tpu.barrier barrier_id(%barrier3A_43)
    %mul3A_44 = arith.constant 640 : i32
    %mul3A_45 = arith.muli %arg1, %mul3A_44 : i32
    %mul3A_46 = arith.constant 10240 : i32
    %mul3A_47 = arith.muli %arg0, %mul3A_46 : i32
    %mul3A_48 = arith.constant 640 : i32
    %mul3A_49 = arith.muli %arg1, %mul3A_48 : i32
    %add3A_50 = arith.addi %mul3A_47, %mul3A_49 : i32
    "tpu.region"() ({
      %run_scoped3A = tpu.sem_alloc : memref<!tpu.dma_semaphore, #tpu.memory_space<semaphore_mem>>
      %dma_start3A_51 = arith.constant 0 : i32
      %dma_start3A_52 = tpu.memref_slice %arg4[%add3A_50, %dma_start3A_51] : memref<20480x16xf32, #tpu.memory_space<hbm>> -> memref<640x16xf32, #tpu.memory_space<hbm>>
      %dma_start3A_53 = arith.constant 0 : i32
      %dma_start3A_54 = tpu.memref_slice %arg8[%mul3A_45, %dma_start3A_53] : memref<10240x16xf32, #tpu.memory_space<vmem_shared>> -> memref<640x16xf32, #tpu.memory_space<vmem_shared>>
      tpu.enqueue_dma source(%dma_start3A_54 : memref<640x16xf32, #tpu.memory_space<vmem_shared>>) target(%dma_start3A_52 : memref<640x16xf32, #tpu.memory_space<hbm>>) target_semaphore(%run_scoped3A : memref<!tpu.dma_semaphore, #tpu.memory_space<semaphore_mem>>)
      %dma_wait3A_55 = arith.constant 0 : i32
      %dma_wait3A_56 = tpu.memref_slice %arg4[%add3A_50, %dma_wait3A_55] : memref<20480x16xf32, #tpu.memory_space<hbm>> -> memref<640x16xf32, #tpu.memory_space<hbm>>
      %dma_wait3A_57 = arith.constant 0 : i32
      %dma_wait3A_58 = tpu.memref_slice %arg8[%mul3A_45, %dma_wait3A_57] : memref<10240x16xf32, #tpu.memory_space<vmem_shared>> -> memref<640x16xf32, #tpu.memory_space<vmem_shared>>
      tpu.wait_dma2 semaphore(%run_scoped3A : memref<!tpu.dma_semaphore, #tpu.memory_space<semaphore_mem>>) src(%dma_wait3A_58 : memref<640x16xf32, #tpu.memory_space<vmem_shared>>) dst(%dma_wait3A_56 : memref<640x16xf32, #tpu.memory_space<hbm>>)
      tpu.yield
    }) : () -> ()
    return
  }
}

module attributes {stable_mosaic.version = 14 : i64} {
  func.func @_node_body(%arg0: i32, %arg1: memref<2000x128xf32, #tpu.memory_space<vmem>>, %arg2: memref<128x16xf32, #tpu.memory_space<vmem>>, %arg3: memref<1x16xf32, #tpu.memory_space<vmem>>, %arg4: memref<16x16xf32, #tpu.memory_space<vmem>>, %arg5: memref<1x16xf32, #tpu.memory_space<vmem>>, %arg6: memref<2000x16xf32, #tpu.memory_space<vmem>>, %arg7: memref<2000x16xf32, #tpu.memory_space<vmem>>) attributes {dimension_semantics = [#tpu.dimension_semantics<arbitrary>], iteration_bounds = array<i64: 5>, scalar_prefetch = 0 : i64, scratch_operands = 0 : i64, tpu.core_type = #tpu.core_type<tc>, window_params = [{transform_indices = @transform_0, window_bounds = array<i64: 2000, 128>}, {pipeline_mode = #tpu.pipeline_mode<synchronous>, transform_indices = @transform_1, window_bounds = array<i64: 128, 16>}, {pipeline_mode = #tpu.pipeline_mode<synchronous>, transform_indices = @transform_2, window_bounds = array<i64: 1, 16>}, {pipeline_mode = #tpu.pipeline_mode<synchronous>, transform_indices = @transform_3, window_bounds = array<i64: 16, 16>}, {pipeline_mode = #tpu.pipeline_mode<synchronous>, transform_indices = @transform_4, window_bounds = array<i64: 1, 16>}, {transform_indices = @transform_5, window_bounds = array<i64: 2000, 16>}, {transform_indices = @transform_6, window_bounds = array<i64: 2000, 16>}]} {
    %get3A = arith.constant 0 : index
    %get3A_0 = arith.constant 0 : index
    %get3A_1 = vector.load %arg1[%get3A, %get3A_0] : memref<2000x128xf32, #tpu.memory_space<vmem>>, vector<2000x128xf32>
    %get3A_2 = arith.constant 0 : index
    %get3A_3 = arith.constant 0 : index
    %get3A_4 = vector.load %arg2[%get3A_2, %get3A_3] : memref<128x16xf32, #tpu.memory_space<vmem>>, vector<128x16xf32>
    %dot_general3A = arith.constant dense<0.000000e+00> : vector<2000x16xf32>
    %dot_general3A_5 = tpu.matmul %get3A_1, %get3A_4, %dot_general3A {dimension_numbers = #tpu.dot_dimension_numbers<[1], [0], [0], [1], [0, 0, 1, 1], [], []>, transpose_lhs_hint = false} : vector<2000x128xf32>, vector<128x16xf32>, vector<2000x16xf32> -> vector<2000x16xf32>
    %get3A_6 = arith.constant 0 : index
    %get3A_7 = arith.constant 0 : index
    %get3A_8 = vector.load %arg3[%get3A_6, %get3A_7] : memref<1x16xf32, #tpu.memory_space<vmem>>, vector<1x16xf32>
    %add3A = vector.broadcast %get3A_8 : vector<1x16xf32> to vector<2000x16xf32>
    %add3A_9 = arith.addf %dot_general3A_5, %add3A : vector<2000x16xf32>
    %gt3A = arith.constant 0.000000e+00 : f32
    %gt3A_10 = vector.broadcast %gt3A : f32 to vector<2000x16xf32>
    %gt3A_11 = arith.cmpf ogt, %add3A_9, %gt3A_10 : vector<2000x16xf32>
    %mul3A = arith.constant 0.00999999977 : f32
    %mul3A_12 = vector.broadcast %mul3A : f32 to vector<2000x16xf32>
    %mul3A_13 = arith.mulf %mul3A_12, %add3A_9 : vector<2000x16xf32>
    %select_n3A = arith.select %gt3A_11, %add3A_9, %mul3A_13 : vector<2000x16xi1>, vector<2000x16xf32>
    %swap3A = arith.constant 0 : index
    %swap3A_14 = arith.constant 0 : index
    %swap3A_15 = vector.load %arg6[%swap3A, %swap3A_14] : memref<2000x16xf32, #tpu.memory_space<vmem>>, vector<2000x16xf32>
    tpu.vector_store %arg6[%swap3A, %swap3A_14], %select_n3A {strides = array<i32>} : memref<2000x16xf32, #tpu.memory_space<vmem>>, vector<2000x16xf32>,
    %get3A_16 = arith.constant 0 : index
    %get3A_17 = arith.constant 0 : index
    %get3A_18 = vector.load %arg4[%get3A_16, %get3A_17] : memref<16x16xf32, #tpu.memory_space<vmem>>, vector<16x16xf32>
    %dot_general3A_19 = arith.constant dense<0.000000e+00> : vector<2000x16xf32>
    %dot_general3A_20 = tpu.matmul %select_n3A, %get3A_18, %dot_general3A_19 {dimension_numbers = #tpu.dot_dimension_numbers<[1], [0], [0], [1], [0, 0, 1, 1], [], []>, transpose_lhs_hint = false} : vector<2000x16xf32>, vector<16x16xf32>, vector<2000x16xf32> -> vector<2000x16xf32>
    %get3A_21 = arith.constant 0 : index
    %get3A_22 = arith.constant 0 : index
    %get3A_23 = vector.load %arg5[%get3A_21, %get3A_22] : memref<1x16xf32, #tpu.memory_space<vmem>>, vector<1x16xf32>
    %add3A_24 = vector.broadcast %get3A_23 : vector<1x16xf32> to vector<2000x16xf32>
    %add3A_25 = arith.addf %dot_general3A_20, %add3A_24 : vector<2000x16xf32>
    %swap3A_26 = arith.constant 0 : index
    %swap3A_27 = arith.constant 0 : index
    %swap3A_28 = vector.load %arg7[%swap3A_26, %swap3A_27] : memref<2000x16xf32, #tpu.memory_space<vmem>>, vector<2000x16xf32>
    tpu.vector_store %arg7[%swap3A_26, %swap3A_27], %add3A_25 {strides = array<i32>} : memref<2000x16xf32, #tpu.memory_space<vmem>>, vector<2000x16xf32>,
    return
  }
  func.func @transform_0(%arg0: i32) -> (i32, i32) {
    %c0_i32 = arith.constant 0 : i32
    %c0_i32_0 = arith.constant 0 : i32
    return %arg0, %c0_i32 : i32, i32
  }
  func.func @transform_1(%arg0: i32) -> (i32, i32) {
    %c0_i32 = arith.constant 0 : i32
    %c0_i32_0 = arith.constant 0 : i32
    %c0_i32_1 = arith.constant 0 : i32
    return %c0_i32, %c0_i32_0 : i32, i32
  }
  func.func @transform_2(%arg0: i32) -> (i32, i32) {
    %c0_i32 = arith.constant 0 : i32
    %c0_i32_0 = arith.constant 0 : i32
    %c0_i32_1 = arith.constant 0 : i32
    return %c0_i32, %c0_i32_0 : i32, i32
  }
  func.func @transform_3(%arg0: i32) -> (i32, i32) {
    %c0_i32 = arith.constant 0 : i32
    %c0_i32_0 = arith.constant 0 : i32
    %c0_i32_1 = arith.constant 0 : i32
    return %c0_i32, %c0_i32_0 : i32, i32
  }
  func.func @transform_4(%arg0: i32) -> (i32, i32) {
    %c0_i32 = arith.constant 0 : i32
    %c0_i32_0 = arith.constant 0 : i32
    %c0_i32_1 = arith.constant 0 : i32
    return %c0_i32, %c0_i32_0 : i32, i32
  }
  func.func @transform_5(%arg0: i32) -> (i32, i32) {
    %c0_i32 = arith.constant 0 : i32
    %c0_i32_0 = arith.constant 0 : i32
    return %arg0, %c0_i32 : i32, i32
  }
  func.func @transform_6(%arg0: i32) -> (i32, i32) {
    %c0_i32 = arith.constant 0 : i32
    %c0_i32_0 = arith.constant 0 : i32
    return %arg0, %c0_i32 : i32, i32
  }
}

module attributes {stable_mosaic.version = 14 : i64} {
  func.func @_edge_body(%arg0: i32, %arg1: memref<512x128xf32, #tpu.memory_space<vmem>>, %arg2: memref<512x128xf32, #tpu.memory_space<vmem>>, %arg3: memref<128x2048xf32, #tpu.memory_space<vmem>>, %arg4: memref<1x2048xf32, #tpu.memory_space<vmem>>, %arg5: memref<128x2048xf32, #tpu.memory_space<vmem>>, %arg6: memref<2048x128xf32, #tpu.memory_space<vmem>>, %arg7: memref<512x128xf32, #tpu.memory_space<vmem>>) attributes {dimension_semantics = [#tpu.dimension_semantics<arbitrary>], iteration_bounds = array<i64: 40>, scalar_prefetch = 0 : i64, scratch_operands = 0 : i64, tpu.core_type = #tpu.core_type<tc>, window_params = [{transform_indices = @transform_0, window_bounds = array<i64: 512, 128>}, {transform_indices = @transform_1, window_bounds = array<i64: 512, 128>}, {pipeline_mode = #tpu.pipeline_mode<synchronous>, transform_indices = @transform_2, window_bounds = array<i64: 128, 2048>}, {pipeline_mode = #tpu.pipeline_mode<synchronous>, transform_indices = @transform_3, window_bounds = array<i64: 1, 2048>}, {pipeline_mode = #tpu.pipeline_mode<synchronous>, transform_indices = @transform_4, window_bounds = array<i64: 128, 2048>}, {pipeline_mode = #tpu.pipeline_mode<synchronous>, transform_indices = @transform_5, window_bounds = array<i64: 2048, 128>}, {transform_indices = @transform_6, window_bounds = array<i64: 512, 128>}]} {
    %get3A = arith.constant 0 : index
    %get3A_0 = arith.constant 0 : index
    %get3A_1 = vector.load %arg1[%get3A, %get3A_0] : memref<512x128xf32, #tpu.memory_space<vmem>>, vector<512x128xf32>
    %get3A_2 = arith.constant 0 : index
    %get3A_3 = arith.constant 0 : index
    %get3A_4 = vector.load %arg3[%get3A_2, %get3A_3] : memref<128x2048xf32, #tpu.memory_space<vmem>>, vector<128x2048xf32>
    %dot_general3A = arith.constant dense<0.000000e+00> : vector<512x2048xf32>
    %dot_general3A_5 = tpu.matmul %get3A_1, %get3A_4, %dot_general3A {dimension_numbers = #tpu.dot_dimension_numbers<[1], [0], [0], [1], [0, 0, 1, 1], [], []>, transpose_lhs_hint = false} : vector<512x128xf32>, vector<128x2048xf32>, vector<512x2048xf32> -> vector<512x2048xf32>
    %get3A_6 = arith.constant 0 : index
    %get3A_7 = arith.constant 0 : index
    %get3A_8 = vector.load %arg4[%get3A_6, %get3A_7] : memref<1x2048xf32, #tpu.memory_space<vmem>>, vector<1x2048xf32>
    %add3A = vector.broadcast %get3A_8 : vector<1x2048xf32> to vector<512x2048xf32>
    %add3A_9 = arith.addf %dot_general3A_5, %add3A : vector<512x2048xf32>
    %gt3A = arith.constant 0.000000e+00 : f32
    %gt3A_10 = vector.broadcast %gt3A : f32 to vector<512x2048xf32>
    %gt3A_11 = arith.cmpf ogt, %add3A_9, %gt3A_10 : vector<512x2048xf32>
    %mul3A = arith.constant 0.00999999977 : f32
    %mul3A_12 = vector.broadcast %mul3A : f32 to vector<512x2048xf32>
    %mul3A_13 = arith.mulf %mul3A_12, %add3A_9 : vector<512x2048xf32>
    %select_n3A = arith.select %gt3A_11, %add3A_9, %mul3A_13 : vector<512x2048xi1>, vector<512x2048xf32>
    %get3A_14 = arith.constant 0 : index
    %get3A_15 = arith.constant 0 : index
    %get3A_16 = vector.load %arg2[%get3A_14, %get3A_15] : memref<512x128xf32, #tpu.memory_space<vmem>>, vector<512x128xf32>
    %get3A_17 = arith.constant 0 : index
    %get3A_18 = arith.constant 0 : index
    %get3A_19 = vector.load %arg5[%get3A_17, %get3A_18] : memref<128x2048xf32, #tpu.memory_space<vmem>>, vector<128x2048xf32>
    %dot_general3A_20 = arith.constant dense<0.000000e+00> : vector<512x2048xf32>
    %dot_general3A_21 = tpu.matmul %get3A_16, %get3A_19, %dot_general3A_20 {dimension_numbers = #tpu.dot_dimension_numbers<[1], [0], [0], [1], [0, 0, 1, 1], [], []>, transpose_lhs_hint = false} : vector<512x128xf32>, vector<128x2048xf32>, vector<512x2048xf32> -> vector<512x2048xf32>
    %mul3A_22 = arith.mulf %select_n3A, %dot_general3A_21 : vector<512x2048xf32>
    %get3A_23 = arith.constant 0 : index
    %get3A_24 = arith.constant 0 : index
    %get3A_25 = vector.load %arg6[%get3A_23, %get3A_24] : memref<2048x128xf32, #tpu.memory_space<vmem>>, vector<2048x128xf32>
    %dot_general3A_26 = arith.constant dense<0.000000e+00> : vector<512x128xf32>
    %dot_general3A_27 = tpu.matmul %mul3A_22, %get3A_25, %dot_general3A_26 {dimension_numbers = #tpu.dot_dimension_numbers<[1], [0], [0], [1], [0, 0, 1, 1], [], []>, transpose_lhs_hint = false} : vector<512x2048xf32>, vector<2048x128xf32>, vector<512x128xf32> -> vector<512x128xf32>
    %swap3A = arith.constant 0 : index
    %swap3A_28 = arith.constant 0 : index
    %swap3A_29 = vector.load %arg7[%swap3A, %swap3A_28] : memref<512x128xf32, #tpu.memory_space<vmem>>, vector<512x128xf32>
    tpu.vector_store %arg7[%swap3A, %swap3A_28], %dot_general3A_27 {strides = array<i32>} : memref<512x128xf32, #tpu.memory_space<vmem>>, vector<512x128xf32>,
    return
  }
  func.func @transform_0(%arg0: i32) -> (i32, i32) {
    %c0_i32 = arith.constant 0 : i32
    %c0_i32_0 = arith.constant 0 : i32
    return %arg0, %c0_i32 : i32, i32
  }
  func.func @transform_1(%arg0: i32) -> (i32, i32) {
    %c0_i32 = arith.constant 0 : i32
    %c0_i32_0 = arith.constant 0 : i32
    return %arg0, %c0_i32 : i32, i32
  }
  func.func @transform_2(%arg0: i32) -> (i32, i32) {
    %c0_i32 = arith.constant 0 : i32
    %c0_i32_0 = arith.constant 0 : i32
    %c0_i32_1 = arith.constant 0 : i32
    return %c0_i32, %c0_i32_0 : i32, i32
  }
  func.func @transform_3(%arg0: i32) -> (i32, i32) {
    %c0_i32 = arith.constant 0 : i32
    %c0_i32_0 = arith.constant 0 : i32
    %c0_i32_1 = arith.constant 0 : i32
    return %c0_i32, %c0_i32_0 : i32, i32
  }
  func.func @transform_4(%arg0: i32) -> (i32, i32) {
    %c0_i32 = arith.constant 0 : i32
    %c0_i32_0 = arith.constant 0 : i32
    %c0_i32_1 = arith.constant 0 : i32
    return %c0_i32, %c0_i32_0 : i32, i32
  }
  func.func @transform_5(%arg0: i32) -> (i32, i32) {
    %c0_i32 = arith.constant 0 : i32
    %c0_i32_0 = arith.constant 0 : i32
    %c0_i32_1 = arith.constant 0 : i32
    return %c0_i32, %c0_i32_0 : i32, i32
  }
  func.func @transform_6(%arg0: i32) -> (i32, i32) {
    %c0_i32 = arith.constant 0 : i32
    %c0_i32_0 = arith.constant 0 : i32
    return %arg0, %c0_i32 : i32, i32
  }
}

module attributes {stable_mosaic.version = 14 : i64} {
  func.func @_final_body(%arg0: i32, %arg1: memref<2000x16xf32, #tpu.memory_space<vmem>>, %arg2: memref<2000x16xf32, #tpu.memory_space<vmem>>, %arg3: memref<2000x16xf32, #tpu.memory_space<vmem>>, %arg4: memref<1x16xf32, #tpu.memory_space<vmem>>, %arg5: memref<1x1xf32, #tpu.memory_space<vmem>>, %arg6: memref<2000x2xf32, #tpu.memory_space<vmem>>) attributes {dimension_semantics = [#tpu.dimension_semantics<arbitrary>], iteration_bounds = array<i64: 5>, scalar_prefetch = 0 : i64, scratch_operands = 0 : i64, tpu.core_type = #tpu.core_type<tc>, window_params = [{transform_indices = @transform_0, window_bounds = array<i64: 2000, 16>}, {transform_indices = @transform_1, window_bounds = array<i64: 2000, 16>}, {transform_indices = @transform_2, window_bounds = array<i64: 2000, 16>}, {pipeline_mode = #tpu.pipeline_mode<synchronous>, transform_indices = @transform_3, window_bounds = array<i64: 1, 16>}, {pipeline_mode = #tpu.pipeline_mode<synchronous>, transform_indices = @transform_4, window_bounds = array<i64: 1, 1>}, {transform_indices = @transform_5, window_bounds = array<i64: 2000, 2>}]} {
    %get3A = arith.constant 0 : index
    %get3A_0 = arith.constant 0 : index
    %get3A_1 = vector.load %arg1[%get3A, %get3A_0] : memref<2000x16xf32, #tpu.memory_space<vmem>>, vector<2000x16xf32>
    %get3A_2 = arith.constant 0 : index
    %get3A_3 = arith.constant 0 : index
    %get3A_4 = vector.load %arg2[%get3A_2, %get3A_3] : memref<2000x16xf32, #tpu.memory_space<vmem>>, vector<2000x16xf32>
    %add3A = arith.addf %get3A_1, %get3A_4 : vector<2000x16xf32>
    %get3A_5 = arith.constant 0 : index
    %get3A_6 = arith.constant 0 : index
    %get3A_7 = vector.load %arg3[%get3A_5, %get3A_6] : memref<2000x16xf32, #tpu.memory_space<vmem>>, vector<2000x16xf32>
    %add3A_8 = arith.addf %add3A, %get3A_7 : vector<2000x16xf32>
    %get3A_9 = arith.constant 0 : index
    %get3A_10 = arith.constant 0 : index
    %get3A_11 = vector.load %arg4[%get3A_9, %get3A_10] : memref<1x16xf32, #tpu.memory_space<vmem>>, vector<1x16xf32>
    %mul3A = vector.broadcast %get3A_11 : vector<1x16xf32> to vector<2000x16xf32>
    %mul3A_12 = arith.mulf %add3A_8, %mul3A : vector<2000x16xf32>
    %reduce_sum3A = arith.constant dense<0.000000e+00> : vector<2000xf32>
    %reduce_sum3A_13 = vector.multi_reduction <add>, %mul3A_12, %reduce_sum3A [1] : vector<2000x16xf32> to vector<2000xf32>
    %broadcast_in_dim3A = vector.shape_cast %reduce_sum3A_13 : vector<2000xf32> to vector<2000x1xf32>
    %get3A_14 = arith.constant 0 : index
    %get3A_15 = arith.constant 0 : index
    %get3A_16 = vector.load %arg5[%get3A_14, %get3A_15] : memref<1x1xf32, #tpu.memory_space<vmem>>, vector<1x1xf32>
    %add3A_17 = vector.broadcast %get3A_16 : vector<1x1xf32> to vector<2000x1xf32>
    %add3A_18 = arith.addf %broadcast_in_dim3A, %add3A_17 : vector<2000x1xf32>
    %max3A = arith.constant 0.000000e+00 : f32
    %max3A_19 = vector.broadcast %max3A : f32 to vector<2000x1xf32>
    %max3A_20 = arith.maximumf %add3A_18, %max3A_19 : vector<2000x1xf32>
    %abs3A = math.absf %add3A_18 : vector<2000x1xf32>
    %neg3A = arith.constant 0.000000e+00 : f32
    %neg3A_21 = vector.broadcast %neg3A : f32 to vector<2000x1xf32>
    %neg3A_22 = arith.subf %neg3A_21, %abs3A : vector<2000x1xf32>
    %exp3A = math.exp %neg3A_22 : vector<2000x1xf32>
    %add3A_23 = arith.constant 1.000000e+00 : f32
    %add3A_24 = vector.broadcast %add3A_23 : f32 to vector<2000x1xf32>
    %add3A_25 = arith.addf %add3A_24, %exp3A : vector<2000x1xf32>
    %log3A = math.log %add3A_25 : vector<2000x1xf32>
    %add3A_26 = arith.addf %max3A_20, %log3A : vector<2000x1xf32>
    %neg3A_27 = arith.constant 0.000000e+00 : f32
    %neg3A_28 = vector.broadcast %neg3A_27 : f32 to vector<2000x1xf32>
    %neg3A_29 = arith.subf %neg3A_28, %add3A_26 : vector<2000x1xf32>
    %sub3A = arith.subf %add3A_18, %add3A_26 : vector<2000x1xf32>
    %concatenate3A = tpu.concatenate %neg3A_29, %sub3A in 1 : vector<2000x1xf32>, vector<2000x1xf32> -> vector<2000x2xf32>
    %swap3A = arith.constant 0 : index
    %swap3A_30 = arith.constant 0 : index
    %swap3A_31 = vector.load %arg6[%swap3A, %swap3A_30] : memref<2000x2xf32, #tpu.memory_space<vmem>>, vector<2000x2xf32>
    tpu.vector_store %arg6[%swap3A, %swap3A_30], %concatenate3A {strides = array<i32>} : memref<2000x2xf32, #tpu.memory_space<vmem>>, vector<2000x2xf32>,
    return
  }
  func.func @transform_0(%arg0: i32) -> (i32, i32) {
    %c0_i32 = arith.constant 0 : i32
    %c0_i32_0 = arith.constant 0 : i32
    return %arg0, %c0_i32 : i32, i32
  }
  func.func @transform_1(%arg0: i32) -> (i32, i32) {
    %c0_i32 = arith.constant 0 : i32
    %c0_i32_0 = arith.constant 0 : i32
    return %arg0, %c0_i32 : i32, i32
  }
  func.func @transform_2(%arg0: i32) -> (i32, i32) {
    %c0_i32 = arith.constant 0 : i32
    %c0_i32_0 = arith.constant 0 : i32
    return %arg0, %c0_i32 : i32, i32
  }
  func.func @transform_3(%arg0: i32) -> (i32, i32) {
    %c0_i32 = arith.constant 0 : i32
    %c0_i32_0 = arith.constant 0 : i32
    %c0_i32_1 = arith.constant 0 : i32
    return %c0_i32, %c0_i32_0 : i32, i32
  }
  func.func @transform_4(%arg0: i32) -> (i32, i32) {
    %c0_i32 = arith.constant 0 : i32
    %c0_i32_0 = arith.constant 0 : i32
    %c0_i32_1 = arith.constant 0 : i32
    return %c0_i32, %c0_i32_0 : i32, i32
  }
  func.func @transform_5(%arg0: i32) -> (i32, i32) {
    %c0_i32 = arith.constant 0 : i32
    %c0_i32_0 = arith.constant 0 : i32
    return %arg0, %c0_i32 : i32, i32
  }
}

</mosaic_0001>

<sc_bundles>
// kernel: kernel.10.cloned.1.call-start
scs
__scs_entry_jumppad:
0x0: {  	(pc) =	sbr.rel $0x88, $3  }
0x1: {  	(tag) =	ssettag $0x0;
	lr =	simm.s32 $0x1  }
0x2: {  	[smem:$0x3F96] =	sst lr;
	_ =	strace $0xD0000000  }
0x3: {  	_ = 	snop  }
0x4: {  	_ = 	snop  }
0x5: {  	_ = 	snop  }
0x6: {  	_ = 	snop  }
0x7: {  	_ = 	snop  }
__scs_overlays_trampoline_lowered:
0x8: {  	[smem:$0x3FA5] =	sst s0  }
0x9: {  	[smem:$0x3FA6] =	sst s1  }
0xa: {  	[smem:$0x3FA7] =	sst s2  }
0xb: {  	[smem:$0x3FA8] =	sst s3  }
0xc: {  	[smem:$0x3FA9] =	sst s4  }
0xd: {  	[smem:$0x3FAA] =	sst s5  }
0xe: {  	[smem:$0x3FAB] =	sst s6  }
0xf: {  	[smem:$0x3FAC] =	sst s7  }
0x10: {  	[smem:$0x3FAD] =	sst s8  }
0x11: {  	[smem:$0x3FAE] =	sst s9;
	s0 =	simm.s32 @!p0 $0x0  }
0x12: {  	s1 =	sld [smem:$0x3F94];
	s0 =	simm.s32 @p0 $0x1  }
0x13: {  	[smem:$0x3FAF] =	sst s0;
	s0 =	simm.s32 @!p1 $0x0  }
0x14: {  	s2 =	sld [smem:$0x3F93];
	s0 =	simm.s32 @p1 $0x1  }
0x15: {  	[smem:$0x3FB0] =	sst s0;
	s0 =	simm.s32 @!p2 $0x0  }
0x16: {  	s3 =	sld [smem:$0x3FDB];
	s0 =	simm.s32 @p2 $0x1  }
0x17: {  	s4 =	simm.s32 $0x1BF5;
	[smem:$0x3FB2] =	sst s0  }
0x18: {  	s0 =	sld [smem:$0x3F95];
	_ =	swait.ge [sflag:s4], $0x0  }
0x19: {  	s7 =	sld [smem:$0x3F96]  }
0x1a: {  	s8 =	sadd.s32 $0xFFFFE003, lr  }
0x1b: {  	s9 =	sadd.s32 $0xFFFFFEF7, lr;
	s5 =	simm.s32 $0xFFFFFFFF;
	p2 =	slt.u32 s8, $0xFFFFF086  }
0x1c: {  	p1 =	slt.u32 s9, $0xF7A;
	s5 =	simm.s32 @!p2 $0x0  }
0x1d: {  	s5 =	simm.s32 @p1 $0x1;
	p0 =	seq.s32 s7, s2  }
0x1e: {  	s7 =	smul.u32 @!p0 $0xF7A, s2;
	p2 =	seq.s32 @!p0 s5, $0x0  }
0x1f: {  	s9 =	smul.u32 $0xF7A, s1;
	s8 =	simm.s32 @!p0 $0x1BF5;
	p2 =	por !p2, p0  }
0x20: {  	[sflag:s8] =	ssyncset.s32 @!p0 $0xFFFFF086;
	s6 =	sadd.s32 @!p0 s3, s7;
	s7 =	simm.s32 @!p0 $0x108  }
0x21: {  	s3 =	sadd.s32 s3, s9;
	s6 =	sadd.s32 @!p0 $0x88, s6;
	s7 =	simm.s32 @p2 $0x1082  }
0x22: {  	[simem:s7], [sflag:s8] =	dma.local @!p0 [hbm:s6], $0xF7A  }
0x23: {  	s9 =	sor.u32 $0xD0000000, s2;
	s6 =	simm.s32 $0x108;
	_ =	swait.ge @!p0 [sflag:s8], $0x0  }
0x24: {  	s3 =	sadd.s32 $0x88, s3;
	s6 =	simm.s32 @!p1 $0x1082;
	[sflag:s4] =	ssyncset.s32 $0xFFFFF086  }
0x25: {  	[simem:s6], [sflag:s4] =	dma.local [hbm:s3], $0xF7A  }
0x26: {  	[smem:$0x3F96] =	sst s1;
	(tag) =	ssettag s2;
	_ =	strace s9  }
0x27: {  	s1 =	sld [smem:$0x3FA6]  }
0x28: {  	s2 =	sld [smem:$0x3FA7]  }
0x29: {  	s4 =	sld [smem:$0x3FA9]  }
0x2a: {  	p0 =	seq.s32 s5, $0x0;
	s5 =	sld [smem:$0x3FAA]  }
0x2b: {  	s6 =	sld [smem:$0x3FAB]  }
0x2c: {  	s7 =	sld [smem:$0x3FAC]  }
0x2d: {  	s3 =	simm.s32 $0x108;
	s8 =	sld [smem:$0x3FAD]  }
0x2e: {  	s3 =	simm.s32 @!p0 $0x1082;
	s9 =	sld [smem:$0x3FAE]  }
0x2f: {  	lr =	sadd.s32 s0, s3;
	s0 =	sld [smem:$0x3FA5]  }
0x30: {  	s3 =	sld [smem:$0x3FA8]  }
0x31: {  	[smem:$0x3FB1] =	sst s10  }
0x32: {  	s10 =	sld [smem:$0x3FAF];
	_ =	sdelay $0x3  }
0x33: {  	p0 =	seq.s32 s10, $0x1;
	s10 =	sld [smem:$0x3FB1];
	_ =	sdelay $0x3  }
0x34: {  	[smem:$0x3FB1] =	sst s10  }
0x35: {  	s10 =	sld [smem:$0x3FB0];
	_ =	sdelay $0x3  }
0x36: {  	p1 =	seq.s32 s10, $0x1;
	s10 =	sld [smem:$0x3FB1];
	_ =	sdelay $0x3  }
0x37: {  	[smem:$0x3FB1] =	sst s10  }
0x38: {  	s10 =	sld [smem:$0x3FB2]  }
0x39: {  	_ = 	snop;
	(pc) =	sbr.ind lr, $3  }
0x3a: {  	_ = 	snop  }
0x3b: {  	_ = 	snop  }
0x3c: {  	p2 =	seq.s32 s10, $0x1;
	s10 =	sld [smem:$0x3FB1]  }
0x3d: {  	_ =	shalt  }
0x3e: {  	_ =	shalt  }
0x3f: {  	_ =	shalt  }
0x40: {  	_ =	shalt  }
0x41: {  	_ =	shalt  }
0x42: {  	_ =	shalt  }
0x43: {  	_ =	shalt  }
0x44: {  	_ =	shalt  }
0x45: {  	_ =	shalt  }
0x46: {  	_ =	shalt  }
0x47: {  	_ =	shalt  }
0x48: {  	_ =	shalt  }
0x49: {  	_ =	shalt  }
0x4a: {  	_ =	shalt  }
0x4b: {  	_ =	shalt  }
0x4c: {  	_ =	shalt  }
0x4d: {  	_ =	shalt  }
0x4e: {  	_ =	shalt  }
0x4f: {  	_ =	shalt  }
0x50: {  	_ =	shalt  }
0x51: {  	_ =	shalt  }
0x52: {  	_ =	shalt  }
0x53: {  	_ =	shalt  }
0x54: {  	_ =	shalt  }
0x55: {  	_ =	shalt  }
0x56: {  	_ =	shalt  }
0x57: {  	_ =	shalt  }
0x58: {  	_ =	shalt  }
0x59: {  	_ =	shalt  }
0x5a: {  	_ =	shalt  }
0x5b: {  	_ =	shalt  }
0x5c: {  	_ =	shalt  }
0x5d: {  	_ =	shalt  }
0x5e: {  	_ =	shalt  }
0x5f: {  	_ =	shalt  }
0x60: {  	_ =	shalt  }
0x61: {  	_ =	shalt  }
0x62: {  	_ =	shalt  }
0x63: {  	_ =	shalt  }
0x64: {  	_ =	shalt  }
0x65: {  	_ =	shalt  }
0x66: {  	_ =	shalt  }
0x67: {  	_ =	shalt  }
0x68: {  	_ =	shalt  }
0x69: {  	_ =	shalt  }
0x6a: {  	_ =	shalt  }
0x6b: {  	_ =	shalt  }
0x6c: {  	_ =	shalt  }
0x6d: {  	_ =	shalt  }
0x6e: {  	_ =	shalt  }
0x6f: {  	_ =	shalt  }
0x70: {  	_ =	shalt  }
0x71: {  	_ =	shalt  }
0x72: {  	_ =	shalt  }
0x73: {  	_ =	shalt  }
0x74: {  	_ =	shalt  }
0x75: {  	_ =	shalt  }
0x76: {  	_ =	shalt  }
0x77: {  	_ =	shalt  }
0x78: {  	_ =	shalt  }
0x79: {  	_ =	shalt  }
0x7a: {  	_ =	shalt  }
0x7b: {  	_ =	shalt  }
0x7c: {  	_ =	shalt  }
0x7d: {  	_ =	shalt  }
0x7e: {  	_ =	shalt  }
0x7f: {  	_ =	shalt  }
0x80: {  	_ =	shalt  }
0x81: {  	_ =	shalt  }
0x82: {  	_ =	shalt  }
0x83: {  	_ =	shalt  }
0x84: {  	_ =	shalt  }
0x85: {  	_ =	shalt  }
0x86: {  	_ =	shalt  }
0x87: {  	_ =	shalt  }
.Lfunc_end0:
.L_simem_size_0:
called_computation.1_lowered:
.L_overlay_start_0:
0x88: {  	s2 =	sld [smem:$0x3FD9]  }
0x89: {  	s3 =	sld [smem:$0x3FFE];
	_ =	sdelay $0x1  }
0x8a: {  	s1 =	srdreg.scid  }
0x8b: {  	s0 =	sand.u32 $0x1, s1  }
0x8c: {  	s16 =	sshll.u32 s0, $0xA;
	s2 =	sadd.s32 s3, s2  }
0x8d: {  	s2 =	sadd.s32 s2, s16  }
0x8e: {  	[smem:$0x3FBD] =	sst s2  }
0x8f: {  	_ = 	snop  }
0x90: {  	(tm) =	ssettm $0x1  }
0x91: {  	s17 =	sld [smem:$0x3FFB];
	_ =	sdelay $0x3  }
0x92: {  	_ =	strace s17  }
0x93: {  	s2 =	sld [smem:$0x3FFC];
	_ =	sdelay $0x3  }
0x94: {  	_ =	strace s2  }
0x95: {  	s2 =	sld [smem:$0x3FFD];
	_ =	sdelay $0x3  }
0x96: {  	_ =	strace s2  }
0x97: {  	_ =	strace $0x8FFFFFFF  }
0x98: {  	s18 =	sld [smem:$0x3FDB];
	_ =	sdelay $0x1  }
0x99: {  	s19 =	simm.s32 $_scs_section_size  }
0x9a: {  	s4 =	simm.s32 $_size__tile_overlayer_lowered;
	s5 =	simm.s32 $_tile_overlayer_lowered  }
0x9b: {  	s22 =	simm.s32 $0x1BFF;
	s21 =	sshll.u32 s5, $0x1;
	s2 =	sadd.s32 s19, s18  }
0x9c: {  	s6 =	simm.s32 $0x0;
	s20 =	sshll.u32 s4, $0x1;
	s4 =	sadd.s32 s21, s2  }
0x9d: {  	[timem:s6], [sflag:s22] =	dma.local [hbm:s4], s20  }
0x9e: {  	_ =	swait.ge [sflag:s22], s20  }
0x9f: {  	s3 =	ssub.s32 $0x0, s20;
	[sflag:s22] =	ssyncset.done $0x0  }
0xa0: {  	[sflag:s22] =	ssyncadd.s32 s3;
	_ =	sdelay $0x1  }
0xa1: {  	s23 =	simm.s32 $0x1B8B  }
0xa2: {  	_ =	swait.ge [sflag:s23], $0x1  }
0xa3: {  	[sflag:s23] =	ssyncset.done $0x0  }
0xa4: {  	s25 =	simm.s32 $0x1B8E;
	s24 =	sld [smem:$0x3FFE];
	[sflag:s23] =	ssyncadd.s32 $0xFFFFFFFF  }
0xa5: {  	s26 =	simm.s32 $execute0_lowered;
	[smem:$0x3FD2] =	sst s25  }
0xa6: {  	s4 =	sshll.u32 s26, $0x1;
	_ =	strace $0x80000049;
	[dreg:$0x1] =	wrdreg $0xFFFFFFFF  }
0xa7: {  	s28 =	simm.s32 $_size_execute0_lowered;
	s2 =	sadd.s32 s2, s4;
	[dreg:$0x0] =	wrdreg $0x0  }
0xa8: {  	s4 =	sshll.u32 s28, $0x1;
	[dreg:$0x2] =	wrdreg s2  }
0xa9: {  	[dreg:$0x3] =	wrdreg s4  }
0xaa: {  	[dreg:$0x4] =	wrdreg $0xC0  }
0xab: {  	_ =	task [dreg:s6], $0x5FFFF  }
0xac: {  	[dreg:$0x1] =	wrdreg $0xFFFFFFFF  }
0xad: {  	[dreg:$0x0] =	wrdreg $0x60  }
0xae: {  	[dreg:$0x2] =	wrdreg s24  }
0xaf: {  	[dreg:$0x3] =	wrdreg $0x17C000  }
0xb0: {  	[dreg:$0x4] =	wrdreg $0x9  }
0xb1: {  	_ =	task.clear_ibuf [dreg:s6], $0x5FFFF;
	_ =	strace $0x90000049  }
0xb2: {  	s29 =	simm.s32 $0x9;
	_ =	strace $0x8000004B  }
0xb3: {  	_ =	swait.ge [sflag:s29], $0x1  }
0xb4: {  	[sflag:s29] =	ssyncadd.s32 $0xFFFFFFFF  }
0xb5: {  	_ =	strace $0x9000004B  }
0xb6: {  	_ =	sfence  }
0xb7: {  	s30 =	sld [smem:$0x0];
	_ =	sdelay $0x2  }
0xb8: {  	s31 =	sshll.u32 s1, $0xD;
	s1 =	sshrl.u32 s1, $0x2  }
0xb9: {  	s3 =	sand.u32 $0x4000, s31;
	s1 =	sadd.s32 s1, s30  }
0xba: {  	s0 =	sor.u32 s3, s0;
	s1 =	sshll.u32 s1, $0x11  }
0xbb: {  	s0 =	sor.u32 s1, s0  }
0xbc: {  	s0 =	sadd.s32 $0x8F2B, s0  }
0xbd: {  	[sflag:s0] =	ssyncadd.remote.s32 $0x1  }
0xbe: {  	_ =	sfence.sel $0xFFFF  }
0xbf: {  	[dreg:$0x0] =	wrdreg $0xFFFFFFFF;
	(pc) =	sbr.abs _section_cstart, $3  }
0xc0: {  	[dreg:$0x1] =	wrdreg $0xFFFFFFFF  }
0xc1: {  	_ =	task.clear_ibuf [dreg:s6], $0x2FFFF;
	_ =	strace $0x9FFFFFFF  }
0xc2: {  	(tm) =	ssettm $0x7FFFFFFF  }
0xc3: {  	_ =	shalt  }
tec
execute0_lowered:
.L_overlay_start_1:
0x0: {  	(tag) =	ssettag $0x1  }
0x1: {  	s0 =	srdreg.scid;
	s4 =	rddreg [dreg:$0x0]  }
0x2: {  	s8 =	stileid.u32;
	s2 =	rddreg [dreg:$0x1];
	s3 =	simm.s32 $0x0  }
0x3: {  	s13 =	simm.s32 $0x2;
	s14 =	simm.s32 $0x1;
	s16 =	simm.s32 $0x3  }
0x4: {  	s17 =	simm.s32 $0x80;
	s28 =	simm.s32 $0x1300;
	s5 =	smul.u32 $0x500, s8  }
0x5: {  	s29 =	simm.s32 $0x14400;
	s30 =	simm.s32 $0x1380;
	s7 =	smul.u32 $0xA000, s8  }
0x6: {  	s0 =	sand.u32 $0x1, s0;
	s1 =	sshll.u32 s8, $0x1;
	s8 =	smul.u32 $0x2800, s8  }
0x7: {  	s31 =	simm.s32 $0x14C00;
	[smem:$0x7FF] =	sst s3;
	s6 =	smul.u32 $0x5000, s0  }
0x8: {  	s1 =	sor.u32 s0, s1;
	s21 =	ssub.s32 $0x2, s0;
	s0 =	smul.u32 $0x1400, s0  }
0x9: {  	s11 =	sadd.s32 $0x5C600, s4;
	_ =	strace $0x8000004A;
	s1 =	smul.u32 $0x2800, s1  }
0xa: {  	s22 =	sshrl.u32 s21, $0x1;
	s23 =	sshrl.u32 s7, $0x2;
	s5 =	sadd.s32 s5, s6  }
0xb: {  	s10 =	ssub.s32 s21, s22;
	s0 =	sadd.s32 s0, s8;
	s1 =	sadd.s32 s1, s4  }
0xc: {  	s9 =	sadd.s32 s5, s4;
	s5 =	sadd.s32 s23, s2;
	s24 =	sor.u32 $0x100, s0  }
0xd: {  	s7 =	smax.u32 s10, $0x1;
	s25 =	sor.u32 $0x80, s0;
	s26 =	sor.u32 $0x180, s0  }
0xe: {  	s0 =	sshrl.u32 s0, $0x3;
	s4 =	sadd.s32 $0x61600, s1;
	s6 =	sadd.s32 $0x2600, s9  }
0xf: {  	s1 =	sshrl.u32 s24, $0x3;
	s12 =	sshrl.u32 s26, $0x3;
	s10 =	sadd.s32 s0, s11  }
0x10: {  	s24 =	simm.s32 $0x13400;
	s26 =	simm.s32 $0x13C00;
	s8 =	sadd.s32 s1, s11  }
0x11: {  	s1 =	sshrl.u32 s25, $0x3;
	s22 =	sadd.s32 s12, s11;
	s12 =	simm.s32 $0x1400  }
0x12: {  	v0 =	vimm.f32 $0.0e+00;
	s25 =	simm.s32 $0x1280;
	s9 =	sadd.s32 s1, s11;
	s1 =	simm.s32 $0x0  }
.LBB2_1:
0x13: {  	s0 =	simm.s32 $0x0  }
0x14: {  	s21 =	simm.s32 $0x80;
	s23 =	simm.s32 $0x100;
	s15 =	simm.s32 $0x800  }
0x15: {  	[tilespmem:s0], [sflag:$0x2] =	stream.linear.gather [hbm4b:s10+s3], $0x80, $0x38;
	[tilespmem:$0x1A400] =	vst v63  }
0x16: {  	s18 =	sadd.s32 $0x40, s10;
	s19 =	sadd.s32 $0x40, s22;
	s20 =	sadd.s32 $0x40, s8  }
0x17: {  	[tilespmem:s21], [sflag:$0x2] =	stream.linear.gather [hbm4b:s9+s3], $0x80, $0x38;
	[tilespmem:$0x1A400] =	vst v63  }
0x18: {  	s11 =	smov.u32 s22;
	s0 =	simm.s32 $0x180;
	s21 =	sadd.s32 $0x40, s9  }
0x19: {  	[tilespmem:s23], [sflag:$0x2] =	stream.linear.gather [hbm4b:s8+s3], $0x80, $0x38;
	[tilespmem:$0x1A400] =	vst v63  }
.LBB2_2:
0x1a: {  	[tilespmem:s0], [sflag:$0x2] =	stream.linear.gather [hbm4b:s11+s3], $0x80, $0x38;
	[tilespmem:$0x1A400] =	vst v63  }
0x1b: {  	s0 =	sshra.s32 s15, $0x2;
	p0 =	sne.s32 s15, $0x4800;
	s15 =	sadd.s32 $0x800, s15  }
0x1c: {  	[tilespmem:s0], [sflag:$0x2] =	stream.linear.gather [hbm4b:s18+s3], $0x80, $0x38;
	[tilespmem:$0x1A400] =	vst v63  }
.Ltmp0:
0x1d: {  	s11 =	smov.u32 s19;
	s23 =	sadd.s32 $0x80, s0;
	(pc) =	sbr.rel @p0 .LBB2_2-.Ltmp0, $4  }
0x1e: {  	[tilespmem:s23], [sflag:$0x2] =	stream.linear.gather [hbm4b:s21+s3], $0x80, $0x38;
	[tilespmem:$0x1A400] =	vst v63  }
0x1f: {  	s19 =	sadd.s32 $0x40, s19;
	s18 =	sadd.s32 $0x40, s18;
	s23 =	sadd.s32 $0x100, s0  }
0x20: {  	[tilespmem:s23], [sflag:$0x2] =	stream.linear.gather [hbm4b:s20+s3], $0x80, $0x38;
	[tilespmem:$0x1A400] =	vst v63  }
0x21: {  	s0 =	sadd.s32 $0x180, s0;
	s21 =	sadd.s32 $0x40, s21;
	s20 =	sadd.s32 $0x40, s20  }
0x22: {  	[tilespmem:s0], [sflag:$0x2] =	stream.linear.gather [hbm4b:s11+s3], $0x80, $0x38;
	[tilespmem:$0x1A400] =	vst v63  }
0x23: {  	s23 =	simm.s32 $0x0;
	s15 =	simm.s32 $0x0;
	s18 =	simm.s32 $0x200  }
0x24: {  	[tilespmem:s12], [sflag:$0x1] =	stream.linear.gather [hbm4b:s4+s23], $0x14000, $0x38;
	[tilespmem:$0x1A400] =	vst v63  }
.LBB2_4:
0x25: {  	p0 =	sne.s32 s18, $0x9E00;
	[tilespmem:s15+$0x15470] =	vst v0  }
0x26: {  	[tilespmem:s15+$0x15400] =	vst v0  }
0x27: {  	[tilespmem:s15+$0x15410] =	vst v0  }
.Ltmp1:
0x28: {  	[tilespmem:s15+$0x15420] =	vst v0;
	(pc) =	sbr.rel @p0 .LBB2_4-.Ltmp1, $4  }
0x29: {  	[tilespmem:s15+$0x15430] =	vst v0  }
0x2a: {  	[tilespmem:s15+$0x15440] =	vst v0  }
0x2b: {  	[tilespmem:s15+$0x15450] =	vst v0  }
0x2c: {  	[tilespmem:s15+$0x15460] =	vst v0;
	s15 =	sshra.s32 s18, $0x2;
	s18 =	sadd.s32 $0x200, s18  }
0x2d: {  	[tilespmem:s15+$0x15470] =	vst v0  }
0x2e: {  	[tilespmem:s15+$0x15400] =	vst v0  }
0x2f: {  	[tilespmem:s15+$0x15410] =	vst v0  }
0x30: {  	[tilespmem:s15+$0x15420] =	vst v0  }
0x31: {  	[tilespmem:s15+$0x15430] =	vst v0  }
0x32: {  	[tilespmem:s15+$0x15440] =	vst v0  }
0x33: {  	[tilespmem:s15+$0x15450] =	vst v0  }
0x34: {  	[tilespmem:s15+$0x15460] =	vst v0  }
0x35: {  	_ =	swait.ge [sflag:s13], $0x80  }
0x36: {  	[sflag:s13] =	ssyncset.done $0x0  }
0x37: {  	[sflag:s13] =	ssyncadd.s32 $0xFFFFFF80  }
0x38: {  	_ =	swait.ge [sflag:s13], $0x80  }
0x39: {  	[sflag:s13] =	ssyncset.done $0x0  }
0x3a: {  	[sflag:s13] =	ssyncadd.s32 $0xFFFFFF80  }
0x3b: {  	_ =	swait.ge [sflag:s13], $0x80  }
0x3c: {  	[sflag:s13] =	ssyncset.done $0x0  }
0x3d: {  	[sflag:s13] =	ssyncadd.s32 $0xFFFFFF80  }
0x3e: {  	_ =	swait.ge [sflag:s13], $0x80  }
0x3f: {  	[sflag:s13] =	ssyncset.done $0x0  }
0x40: {  	[sflag:s13] =	ssyncadd.s32 $0xFFFFFF80  }
0x41: {  	_ =	swait.ge [sflag:s13], $0x80  }
0x42: {  	[sflag:s13] =	ssyncset.done $0x0  }
0x43: {  	[sflag:s13] =	ssyncadd.s32 $0xFFFFFF80  }
0x44: {  	_ =	swait.ge [sflag:s13], $0x80  }
0x45: {  	[sflag:s13] =	ssyncset.done $0x0  }
0x46: {  	[sflag:s13] =	ssyncadd.s32 $0xFFFFFF80  }
0x47: {  	_ =	swait.ge [sflag:s13], $0x80  }
0x48: {  	[sflag:s13] =	ssyncset.done $0x0  }
0x49: {  	[sflag:s13] =	ssyncadd.s32 $0xFFFFFF80  }
0x4a: {  	_ =	swait.ge [sflag:s13], $0x80  }
0x4b: {  	[sflag:s13] =	ssyncset.done $0x0  }
0x4c: {  	[sflag:s13] =	ssyncadd.s32 $0xFFFFFF80  }
0x4d: {  	_ =	swait.ge [sflag:s13], $0x80  }
0x4e: {  	[sflag:s13] =	ssyncset.done $0x0  }
0x4f: {  	[sflag:s13] =	ssyncadd.s32 $0xFFFFFF80  }
0x50: {  	_ =	swait.ge [sflag:s13], $0x80  }
0x51: {  	[sflag:s13] =	ssyncset.done $0x0  }
0x52: {  	[sflag:s13] =	ssyncadd.s32 $0xFFFFFF80  }
0x53: {  	_ =	swait.ge [sflag:s13], $0x80  }
0x54: {  	[sflag:s13] =	ssyncset.done $0x0  }
0x55: {  	[sflag:s13] =	ssyncadd.s32 $0xFFFFFF80  }
0x56: {  	_ =	swait.ge [sflag:s13], $0x80  }
0x57: {  	[sflag:s13] =	ssyncset.done $0x0  }
0x58: {  	[sflag:s13] =	ssyncadd.s32 $0xFFFFFF80  }
0x59: {  	_ =	swait.ge [sflag:s13], $0x80  }
0x5a: {  	[sflag:s13] =	ssyncset.done $0x0  }
0x5b: {  	[sflag:s13] =	ssyncadd.s32 $0xFFFFFF80  }
0x5c: {  	_ =	swait.ge [sflag:s13], $0x80  }
0x5d: {  	[sflag:s13] =	ssyncset.done $0x0  }
0x5e: {  	[sflag:s13] =	ssyncadd.s32 $0xFFFFFF80  }
0x5f: {  	_ =	swait.ge [sflag:s13], $0x80  }
0x60: {  	[sflag:s13] =	ssyncset.done $0x0  }
0x61: {  	[sflag:s13] =	ssyncadd.s32 $0xFFFFFF80  }
0x62: {  	_ =	swait.ge [sflag:s13], $0x80  }
0x63: {  	[sflag:s13] =	ssyncset.done $0x0  }
0x64: {  	[sflag:s13] =	ssyncadd.s32 $0xFFFFFF80  }
0x65: {  	_ =	swait.ge [sflag:s13], $0x80  }
0x66: {  	[sflag:s13] =	ssyncset.done $0x0  }
0x67: {  	[sflag:s13] =	ssyncadd.s32 $0xFFFFFF80  }
0x68: {  	_ =	swait.ge [sflag:s13], $0x80  }
0x69: {  	[sflag:s13] =	ssyncset.done $0x0  }
0x6a: {  	[sflag:s13] =	ssyncadd.s32 $0xFFFFFF80  }
0x6b: {  	_ =	swait.ge [sflag:s13], $0x80  }
0x6c: {  	[sflag:s13] =	ssyncset.done $0x0  }
0x6d: {  	[sflag:s13] =	ssyncadd.s32 $0xFFFFFF80  }
0x6e: {  	_ =	swait.ge [sflag:s13], $0x80  }
0x6f: {  	[sflag:s13] =	ssyncset.done $0x0  }
0x70: {  	[sflag:s13] =	ssyncadd.s32 $0xFFFFFF80  }
0x71: {  	_ =	swait.ge [sflag:s13], $0x80  }
0x72: {  	[sflag:s13] =	ssyncset.done $0x0  }
0x73: {  	[sflag:s13] =	ssyncadd.s32 $0xFFFFFF80  }
0x74: {  	_ =	swait.ge [sflag:s13], $0x80  }
0x75: {  	[sflag:s13] =	ssyncset.done $0x0  }
0x76: {  	[sflag:s13] =	ssyncadd.s32 $0xFFFFFF80  }
0x77: {  	_ =	swait.ge [sflag:s13], $0x80  }
0x78: {  	[sflag:s13] =	ssyncset.done $0x0  }
0x79: {  	[sflag:s13] =	ssyncadd.s32 $0xFFFFFF80  }
0x7a: {  	_ =	swait.ge [sflag:s13], $0x80  }
0x7b: {  	[sflag:s13] =	ssyncset.done $0x0  }
0x7c: {  	[sflag:s13] =	ssyncadd.s32 $0xFFFFFF80  }
0x7d: {  	_ =	swait.ge [sflag:s13], $0x80  }
0x7e: {  	[sflag:s13] =	ssyncset.done $0x0  }
0x7f: {  	[sflag:s13] =	ssyncadd.s32 $0xFFFFFF80  }
0x80: {  	_ =	swait.ge [sflag:s13], $0x80  }
0x81: {  	[sflag:s13] =	ssyncset.done $0x0  }
0x82: {  	[sflag:s13] =	ssyncadd.s32 $0xFFFFFF80  }
0x83: {  	_ =	swait.ge [sflag:s13], $0x80  }
0x84: {  	[sflag:s13] =	ssyncset.done $0x0  }
0x85: {  	[sflag:s13] =	ssyncadd.s32 $0xFFFFFF80  }
0x86: {  	_ =	swait.ge [sflag:s13], $0x80  }
0x87: {  	[sflag:s13] =	ssyncset.done $0x0  }
0x88: {  	[sflag:s13] =	ssyncadd.s32 $0xFFFFFF80  }
0x89: {  	_ =	swait.ge [sflag:s13], $0x80  }
0x8a: {  	[sflag:s13] =	ssyncset.done $0x0  }
0x8b: {  	[sflag:s13] =	ssyncadd.s32 $0xFFFFFF80  }
0x8c: {  	_ =	swait.ge [sflag:s13], $0x80  }
0x8d: {  	[sflag:s13] =	ssyncset.done $0x0  }
0x8e: {  	[sflag:s13] =	ssyncadd.s32 $0xFFFFFF80  }
0x8f: {  	_ =	swait.ge [sflag:s13], $0x80  }
0x90: {  	[sflag:s13] =	ssyncset.done $0x0  }
0x91: {  	[sflag:s13] =	ssyncadd.s32 $0xFFFFFF80  }
0x92: {  	_ =	swait.ge [sflag:s13], $0x80  }
0x93: {  	[sflag:s13] =	ssyncset.done $0x0  }
0x94: {  	[sflag:s13] =	ssyncadd.s32 $0xFFFFFF80  }
0x95: {  	_ =	swait.ge [sflag:s13], $0x80  }
0x96: {  	[sflag:s13] =	ssyncset.done $0x0  }
0x97: {  	[sflag:s13] =	ssyncadd.s32 $0xFFFFFF80  }
0x98: {  	_ =	swait.ge [sflag:s13], $0x80  }
0x99: {  	[sflag:s13] =	ssyncset.done $0x0  }
0x9a: {  	[sflag:s13] =	ssyncadd.s32 $0xFFFFFF80  }
0x9b: {  	_ =	swait.ge [sflag:s13], $0x80  }
0x9c: {  	[sflag:s13] =	ssyncset.done $0x0  }
0x9d: {  	[sflag:s13] =	ssyncadd.s32 $0xFFFFFF80  }
0x9e: {  	_ =	swait.ge [sflag:s13], $0x80  }
0x9f: {  	[sflag:s13] =	ssyncset.done $0x0  }
0xa0: {  	[sflag:s13] =	ssyncadd.s32 $0xFFFFFF80  }
0xa1: {  	_ =	swait.ge [sflag:s13], $0x80  }
0xa2: {  	[sflag:s13] =	ssyncset.done $0x0  }
0xa3: {  	[sflag:s13] =	ssyncadd.s32 $0xFFFFFF80  }
0xa4: {  	_ =	swait.ge [sflag:s13], $0x80  }
0xa5: {  	[sflag:s13] =	ssyncset.done $0x0  }
0xa6: {  	[sflag:s13] =	ssyncadd.s32 $0xFFFFFF80  }
0xa7: {  	_ =	swait.ge [sflag:s13], $0x80  }
0xa8: {  	[sflag:s13] =	ssyncset.done $0x0  }
0xa9: {  	[sflag:s13] =	ssyncadd.s32 $0xFFFFFF80  }
0xaa: {  	_ =	swait.ge [sflag:s13], $0x80  }
0xab: {  	[sflag:s13] =	ssyncset.done $0x0  }
0xac: {  	[sflag:s13] =	ssyncadd.s32 $0xFFFFFF80  }
0xad: {  	_ =	swait.ge [sflag:s14], $0x14000  }
0xae: {  	[sflag:s14] =	ssyncset.done $0x0  }
0xaf: {  	s0 =	simm.s32 $0x15400;
	[sflag:s14] =	ssyncadd.s32 $0xFFFEC000  }
0xb0: {  	[spmem:s5] =	stream.linear.scatter [tilespmem:s0], [sflag:$0x3], $0x2800, $0x38;
	[tilespmem:$0x1A400] =	vst v63  }
0xb1: {  	_ =	swait.ge [sflag:s16], $0x2800  }
0xb2: {  	[sflag:s16] =	ssyncset.done $0x0  }
0xb3: {  	[sflag:s16] =	ssyncadd.s32 $0xFFFFD800  }
0xb4: {  	[bflag:$0x0] =	sbarrier.arrive $0xFFFF  }
0xb5: {  	[spmem:s2] =	stream.indirect.scatter.add.f32 [tilespmem:s12], [sflag:$0x1], $0x10, s3, s17, $0xb8;
	[tilespmem:$0x1A400] =	vst v63  }
0xb6: {  	s19 =	simm.s32 $0x1C00  }
0xb7: {  	[spmem:s2] =	stream.indirect.scatter.add.f32 [tilespmem:s19], [sflag:$0x1], $0x10, s17, s17, $0xb8;
	[tilespmem:$0x1A400] =	vst v63  }
0xb8: {  	s20 =	simm.s32 $0x100;
	s11 =	simm.s32 $0x2400  }
0xb9: {  	[spmem:s2] =	stream.indirect.scatter.add.f32 [tilespmem:s11], [sflag:$0x1], $0x10, s20, s17, $0xb8;
	[tilespmem:$0x1A400] =	vst v63  }
0xba: {  	s21 =	simm.s32 $0x180;
	s23 =	simm.s32 $0x2C00  }
0xbb: {  	[spmem:s2] =	stream.indirect.scatter.add.f32 [tilespmem:s23], [sflag:$0x1], $0x10, s21, s17, $0xb8;
	[tilespmem:$0x1A400] =	vst v63  }
0xbc: {  	s15 =	simm.s32 $0x200;
	s18 =	simm.s32 $0x3400  }
0xbd: {  	[spmem:s2] =	stream.indirect.scatter.add.f32 [tilespmem:s18], [sflag:$0x1], $0x10, s15, s17, $0xb8;
	[tilespmem:$0x1A400] =	vst v63  }
0xbe: {  	s19 =	simm.s32 $0x280;
	s20 =	simm.s32 $0x3C00  }
0xbf: {  	[spmem:s2] =	stream.indirect.scatter.add.f32 [tilespmem:s20], [sflag:$0x1], $0x10, s19, s17, $0xb8;
	[tilespmem:$0x1A400] =	vst v63  }
0xc0: {  	s21 =	simm.s32 $0x300;
	s23 =	simm.s32 $0x4400  }
0xc1: {  	[spmem:s2] =	stream.indirect.scatter.add.f32 [tilespmem:s23], [sflag:$0x1], $0x10, s21, s17, $0xb8;
	[tilespmem:$0x1A400] =	vst v63  }
0xc2: {  	s15 =	simm.s32 $0x380;
	s18 =	simm.s32 $0x4C00  }
0xc3: {  	[spmem:s2] =	stream.indirect.scatter.add.f32 [tilespmem:s18], [sflag:$0x1], $0x10, s15, s17, $0xb8;
	[tilespmem:$0x1A400] =	vst v63  }
0xc4: {  	s19 =	simm.s32 $0x400;
	s20 =	simm.s32 $0x5400  }
0xc5: {  	[spmem:s2] =	stream.indirect.scatter.add.f32 [tilespmem:s20], [sflag:$0x1], $0x10, s19, s17, $0xb8;
	[tilespmem:$0x1A400] =	vst v63  }
0xc6: {  	s21 =	simm.s32 $0x480;
	s23 =	simm.s32 $0x5C00  }
0xc7: {  	[spmem:s2] =	stream.indirect.scatter.add.f32 [tilespmem:s23], [sflag:$0x1], $0x10, s21, s17, $0xb8;
	[tilespmem:$0x1A400] =	vst v63  }
0xc8: {  	s15 =	simm.s32 $0x500;
	s18 =	simm.s32 $0x6400  }
0xc9: {  	[spmem:s2] =	stream.indirect.scatter.add.f32 [tilespmem:s18], [sflag:$0x1], $0x10, s15, s17, $0xb8;
	[tilespmem:$0x1A400] =	vst v63  }
0xca: {  	s19 =	simm.s32 $0x580;
	s20 =	simm.s32 $0x6C00  }
0xcb: {  	[spmem:s2] =	stream.indirect.scatter.add.f32 [tilespmem:s20], [sflag:$0x1], $0x10, s19, s17, $0xb8;
	[tilespmem:$0x1A400] =	vst v63  }
0xcc: {  	s21 =	simm.s32 $0x600;
	s23 =	simm.s32 $0x7400  }
0xcd: {  	[spmem:s2] =	stream.indirect.scatter.add.f32 [tilespmem:s23], [sflag:$0x1], $0x10, s21, s17, $0xb8;
	[tilespmem:$0x1A400] =	vst v63  }
0xce: {  	s15 =	simm.s32 $0x680;
	s18 =	simm.s32 $0x7C00  }
0xcf: {  	[spmem:s2] =	stream.indirect.scatter.add.f32 [tilespmem:s18], [sflag:$0x1], $0x10, s15, s17, $0xb8;
	[tilespmem:$0x1A400] =	vst v63  }
0xd0: {  	s19 =	simm.s32 $0x700;
	s20 =	simm.s32 $0x8400  }
0xd1: {  	[spmem:s2] =	stream.indirect.scatter.add.f32 [tilespmem:s20], [sflag:$0x1], $0x10, s19, s17, $0xb8;
	[tilespmem:$0x1A400] =	vst v63  }
0xd2: {  	s21 =	simm.s32 $0x780;
	s23 =	simm.s32 $0x8C00  }
0xd3: {  	[spmem:s2] =	stream.indirect.scatter.add.f32 [tilespmem:s23], [sflag:$0x1], $0x10, s21, s17, $0xb8;
	[tilespmem:$0x1A400] =	vst v63  }
0xd4: {  	s15 =	simm.s32 $0x800;
	s18 =	simm.s32 $0x9400  }
0xd5: {  	[spmem:s2] =	stream.indirect.scatter.add.f32 [tilespmem:s18], [sflag:$0x1], $0x10, s15, s17, $0xb8;
	[tilespmem:$0x1A400] =	vst v63  }
0xd6: {  	s19 =	simm.s32 $0x880;
	s20 =	simm.s32 $0x9C00  }
0xd7: {  	[spmem:s2] =	stream.indirect.scatter.add.f32 [tilespmem:s20], [sflag:$0x1], $0x10, s19, s17, $0xb8;
	[tilespmem:$0x1A400] =	vst v63  }
0xd8: {  	s21 =	simm.s32 $0x900;
	s23 =	simm.s32 $0xA400  }
0xd9: {  	[spmem:s2] =	stream.indirect.scatter.add.f32 [tilespmem:s23], [sflag:$0x1], $0x10, s21, s17, $0xb8;
	[tilespmem:$0x1A400] =	vst v63  }
0xda: {  	s15 =	simm.s32 $0x980;
	s18 =	simm.s32 $0xAC00  }
0xdb: {  	[spmem:s2] =	stream.indirect.scatter.add.f32 [tilespmem:s18], [sflag:$0x1], $0x10, s15, s17, $0xb8;
	[tilespmem:$0x1A400] =	vst v63  }
0xdc: {  	s19 =	simm.s32 $0xA00;
	s20 =	simm.s32 $0xB400  }
0xdd: {  	[spmem:s2] =	stream.indirect.scatter.add.f32 [tilespmem:s20], [sflag:$0x1], $0x10, s19, s17, $0xb8;
	[tilespmem:$0x1A400] =	vst v63  }
0xde: {  	s21 =	simm.s32 $0xA80;
	s23 =	simm.s32 $0xBC00  }
0xdf: {  	[spmem:s2] =	stream.indirect.scatter.add.f32 [tilespmem:s23], [sflag:$0x1], $0x10, s21, s17, $0xb8;
	[tilespmem:$0x1A400] =	vst v63  }
0xe0: {  	s15 =	simm.s32 $0xB00;
	s18 =	simm.s32 $0xC400  }
0xe1: {  	[spmem:s2] =	stream.indirect.scatter.add.f32 [tilespmem:s18], [sflag:$0x1], $0x10, s15, s17, $0xb8;
	[tilespmem:$0x1A400] =	vst v63  }
0xe2: {  	s19 =	simm.s32 $0xB80;
	s20 =	simm.s32 $0xCC00  }
0xe3: {  	[spmem:s2] =	stream.indirect.scatter.add.f32 [tilespmem:s20], [sflag:$0x1], $0x10, s19, s17, $0xb8;
	[tilespmem:$0x1A400] =	vst v63  }
0xe4: {  	s21 =	simm.s32 $0xC00;
	s23 =	simm.s32 $0xD400  }
0xe5: {  	[spmem:s2] =	stream.indirect.scatter.add.f32 [tilespmem:s23], [sflag:$0x1], $0x10, s21, s17, $0xb8;
	[tilespmem:$0x1A400] =	vst v63  }
0xe6: {  	s15 =	simm.s32 $0xC80;
	s18 =	simm.s32 $0xDC00  }
0xe7: {  	[spmem:s2] =	stream.indirect.scatter.add.f32 [tilespmem:s18], [sflag:$0x1], $0x10, s15, s17, $0xb8;
	[tilespmem:$0x1A400] =	vst v63  }
0xe8: {  	s19 =	simm.s32 $0xD00;
	s20 =	simm.s32 $0xE400  }
0xe9: {  	[spmem:s2] =	stream.indirect.scatter.add.f32 [tilespmem:s20], [sflag:$0x1], $0x10, s19, s17, $0xb8;
	[tilespmem:$0x1A400] =	vst v63  }
0xea: {  	s21 =	simm.s32 $0xD80;
	s23 =	simm.s32 $0xEC00  }
0xeb: {  	[spmem:s2] =	stream.indirect.scatter.add.f32 [tilespmem:s23], [sflag:$0x1], $0x10, s21, s17, $0xb8;
	[tilespmem:$0x1A400] =	vst v63  }
0xec: {  	s15 =	simm.s32 $0xE00;
	s18 =	simm.s32 $0xF400  }
0xed: {  	[spmem:s2] =	stream.indirect.scatter.add.f32 [tilespmem:s18], [sflag:$0x1], $0x10, s15, s17, $0xb8;
	[tilespmem:$0x1A400] =	vst v63  }
0xee: {  	s19 =	simm.s32 $0xE80;
	s20 =	simm.s32 $0xFC00  }
0xef: {  	[spmem:s2] =	stream.indirect.scatter.add.f32 [tilespmem:s20], [sflag:$0x1], $0x10, s19, s17, $0xb8;
	[tilespmem:$0x1A400] =	vst v63  }
0xf0: {  	s21 =	simm.s32 $0xF00;
	s23 =	simm.s32 $0x10400  }
0xf1: {  	[spmem:s2] =	stream.indirect.scatter.add.f32 [tilespmem:s23], [sflag:$0x1], $0x10, s21, s17, $0xb8;
	[tilespmem:$0x1A400] =	vst v63  }
0xf2: {  	s15 =	simm.s32 $0xF80;
	s18 =	simm.s32 $0x10C00  }
0xf3: {  	[spmem:s2] =	stream.indirect.scatter.add.f32 [tilespmem:s18], [sflag:$0x1], $0x10, s15, s17, $0xb8;
	[tilespmem:$0x1A400] =	vst v63  }
0xf4: {  	s19 =	simm.s32 $0x1000;
	s20 =	simm.s32 $0x11400  }
0xf5: {  	[spmem:s2] =	stream.indirect.scatter.add.f32 [tilespmem:s20], [sflag:$0x1], $0x10, s19, s17, $0xb8;
	[tilespmem:$0x1A400] =	vst v63  }
0xf6: {  	s21 =	simm.s32 $0x1080;
	s23 =	simm.s32 $0x11C00  }
0xf7: {  	[spmem:s2] =	stream.indirect.scatter.add.f32 [tilespmem:s23], [sflag:$0x1], $0x10, s21, s17, $0xb8;
	[tilespmem:$0x1A400] =	vst v63  }
0xf8: {  	s11 =	simm.s32 $0x1100;
	s15 =	simm.s32 $0x12400  }
0xf9: {  	[spmem:s2] =	stream.indirect.scatter.add.f32 [tilespmem:s15], [sflag:$0x1], $0x10, s11, s17, $0xb8;
	[tilespmem:$0x1A400] =	vst v63  }
0xfa: {  	s18 =	simm.s32 $0x1180;
	s19 =	simm.s32 $0x12C00  }
0xfb: {  	[spmem:s2] =	stream.indirect.scatter.add.f32 [tilespmem:s19], [sflag:$0x1], $0x10, s18, s17, $0xb8;
	[tilespmem:$0x1A400] =	vst v63  }
0xfc: {  	s20 =	simm.s32 $0x1200  }
0xfd: {  	[spmem:s2] =	stream.indirect.scatter.add.f32 [tilespmem:s24], [sflag:$0x1], $0x10, s20, s17, $0xb8;
	[tilespmem:$0x1A400] =	vst v63  }
0xfe: {  	_ = 	snop  }
0xff: {  	[spmem:s2] =	stream.indirect.scatter.add.f32 [tilespmem:s26], [sflag:$0x1], $0x10, s25, s17, $0xb8;
	[tilespmem:$0x1A400] =	vst v63  }
0x100: {  	_ = 	snop  }
0x101: {  	[spmem:s2] =	stream.indirect.scatter.add.f32 [tilespmem:s29], [sflag:$0x1], $0x10, s28, s17, $0xb8;
	[tilespmem:$0x1A400] =	vst v63  }
0x102: {  	_ = 	snop  }
0x103: {  	[spmem:s2] =	stream.indirect.scatter.add.f32 [tilespmem:s31], [sflag:$0x1], $0x10, s30, s17, $0xb8;
	[tilespmem:$0x1A400] =	vst v63  }
0x104: {  	s1 =	sadd.s32 $0x1, s1;
	_ =	swait.ge [sflag:s14], $0x14000  }
0x105: {  	p0 =	sne.s32 s1, s7;
	s21 =	stileid.u32;
	[sflag:s14] =	ssyncset.done $0x0  }
0x106: {  	s23 =	sshrl.u32 s5, $0x3;
	s0 =	sshll.u32 s21, $0x6;
	[sflag:s14] =	ssyncadd.s32 $0xFFFEC000  }
.Ltmp2:
0x107: {  	s0 =	sor.u32 $0x1C03, s0;
	[bflag:$0x0] =	sbarrier.arrive $0xFFFF;
	(pc) =	sbr.rel @p0 .LBB2_1-.Ltmp2, $4  }
0x108: {  	[hbm:s6], [sflag:s0] =	dma.local [spmem:s23], $0x500  }
0x109: {  	_ =	swait.ge [sflag:s16], $0x500  }
0x10a: {  	[sflag:s16] =	ssyncset.done $0x0  }
0x10b: {  	[sflag:s16] =	ssyncadd.s32 $0xFFFFFB00  }
0x10c: {  	_ =	sfence.sel $0x180000  }
0x10d: {  	[bflag:$0x0] =	sbarrier.arrive $0xFFFF  }
0x10e: {  	_ =	strace $0x9000004A  }
0x10f: {  	s0 =	stileid.u32;
	[bflag:$0x2] =	sbarrier.arrive $0xFFFF  }
0x110: {  	p0 =	sne.s32 s0, $0x0;
	s0 =	rddreg [dreg:$0x2]  }
0x111: {  	s0 =	sadd.s32 @!p0 $0x100000, s0  }
0x112: {  	[sflag:s0] =	ssyncadd.tile.s32 @!p0 $0x1;
	_ =	shalt  }
.Lfunc_end2:
_tile_overlayer_lowered:
.L_overlay_start_2:
0x113: {  	(tag) =	ssettag $0x2  }
0x114: {  	s0 =	rddreg [dreg:$0x0];
	s2 =	stileid.u32  }
0x115: {  	s1 =	rddreg [dreg:$0x1];
	p0 =	sne.s32 s2, $0x0  }
0x116: {  	s3 =	rddreg [dreg:$0x2];
	[bflag:$0x3] =	sbarrier.arrive $0xFFFF;
	s2 =	simm.s32 @!p0 $0x1C03  }
0x117: {  	[timem:s3], [sflag:s2] =	dma.local @!p0 [hbm:s0], s1  }
0x118: {  	s0 =	simm.s32 @!p0 $0x3  }
0x119: {  	_ =	swait.ge @!p0 [sflag:s0], s1  }
0x11a: {  	s1 =	ssub.s32 @!p0 $0x0, s1;
	[sflag:s0] =	ssyncset.done @!p0 $0x0  }
0x11b: {  	[sflag:s0] =	ssyncadd.s32 @!p0 s1  }
0x11c: {  	[bflag:$0x3] =	sbarrier.arrive $0xFFFF  }
0x11d: {  	_ =	shalt  }

// kernel: kernel.7.cloned.1.call-start
scs
__scs_entry_jumppad:
0x0: {  	(pc) =	sbr.rel $0x88, $3  }
0x1: {  	(tag) =	ssettag $0x0;
	lr =	simm.s32 $0x1  }
0x2: {  	[smem:$0x3F96] =	sst lr;
	_ =	strace $0xD0000000  }
0x3: {  	_ = 	snop  }
0x4: {  	_ = 	snop  }
0x5: {  	_ = 	snop  }
0x6: {  	_ = 	snop  }
0x7: {  	_ = 	snop  }
__scs_overlays_trampoline_lowered:
0x8: {  	[smem:$0x3FA5] =	sst s0  }
0x9: {  	[smem:$0x3FA6] =	sst s1  }
0xa: {  	[smem:$0x3FA7] =	sst s2  }
0xb: {  	[smem:$0x3FA8] =	sst s3  }
0xc: {  	[smem:$0x3FA9] =	sst s4  }
0xd: {  	[smem:$0x3FAA] =	sst s5  }
0xe: {  	[smem:$0x3FAB] =	sst s6  }
0xf: {  	[smem:$0x3FAC] =	sst s7  }
0x10: {  	[smem:$0x3FAD] =	sst s8  }
0x11: {  	[smem:$0x3FAE] =	sst s9;
	s0 =	simm.s32 @!p0 $0x0  }
0x12: {  	s1 =	sld [smem:$0x3F94];
	s0 =	simm.s32 @p0 $0x1  }
0x13: {  	[smem:$0x3FAF] =	sst s0;
	s0 =	simm.s32 @!p1 $0x0  }
0x14: {  	s2 =	sld [smem:$0x3F93];
	s0 =	simm.s32 @p1 $0x1  }
0x15: {  	[smem:$0x3FB0] =	sst s0;
	s0 =	simm.s32 @!p2 $0x0  }
0x16: {  	s3 =	sld [smem:$0x3FDB];
	s0 =	simm.s32 @p2 $0x1  }
0x17: {  	s4 =	simm.s32 $0x1BF5;
	[smem:$0x3FB2] =	sst s0  }
0x18: {  	s0 =	sld [smem:$0x3F95];
	_ =	swait.ge [sflag:s4], $0x0  }
0x19: {  	s7 =	sld [smem:$0x3F96]  }
0x1a: {  	s8 =	sadd.s32 $0xFFFFE003, lr  }
0x1b: {  	s9 =	sadd.s32 $0xFFFFFEF7, lr;
	s5 =	simm.s32 $0xFFFFFFFF;
	p2 =	slt.u32 s8, $0xFFFFF086  }
0x1c: {  	p1 =	slt.u32 s9, $0xF7A;
	s5 =	simm.s32 @!p2 $0x0  }
0x1d: {  	s5 =	simm.s32 @p1 $0x1;
	p0 =	seq.s32 s7, s2  }
0x1e: {  	s7 =	smul.u32 @!p0 $0xF7A, s2;
	p2 =	seq.s32 @!p0 s5, $0x0  }
0x1f: {  	s9 =	smul.u32 $0xF7A, s1;
	s8 =	simm.s32 @!p0 $0x1BF5;
	p2 =	por !p2, p0  }
0x20: {  	[sflag:s8] =	ssyncset.s32 @!p0 $0xFFFFF086;
	s6 =	sadd.s32 @!p0 s3, s7;
	s7 =	simm.s32 @!p0 $0x108  }
0x21: {  	s3 =	sadd.s32 s3, s9;
	s6 =	sadd.s32 @!p0 $0x88, s6;
	s7 =	simm.s32 @p2 $0x1082  }
0x22: {  	[simem:s7], [sflag:s8] =	dma.local @!p0 [hbm:s6], $0xF7A  }
0x23: {  	s9 =	sor.u32 $0xD0000000, s2;
	s6 =	simm.s32 $0x108;
	_ =	swait.ge @!p0 [sflag:s8], $0x0  }
0x24: {  	s3 =	sadd.s32 $0x88, s3;
	s6 =	simm.s32 @!p1 $0x1082;
	[sflag:s4] =	ssyncset.s32 $0xFFFFF086  }
0x25: {  	[simem:s6], [sflag:s4] =	dma.local [hbm:s3], $0xF7A  }
0x26: {  	[smem:$0x3F96] =	sst s1;
	(tag) =	ssettag s2;
	_ =	strace s9  }
0x27: {  	s1 =	sld [smem:$0x3FA6]  }
0x28: {  	s2 =	sld [smem:$0x3FA7]  }
0x29: {  	s4 =	sld [smem:$0x3FA9]  }
0x2a: {  	p0 =	seq.s32 s5, $0x0;
	s5 =	sld [smem:$0x3FAA]  }
0x2b: {  	s6 =	sld [smem:$0x3FAB]  }
0x2c: {  	s7 =	sld [smem:$0x3FAC]  }
0x2d: {  	s3 =	simm.s32 $0x108;
	s8 =	sld [smem:$0x3FAD]  }
0x2e: {  	s3 =	simm.s32 @!p0 $0x1082;
	s9 =	sld [smem:$0x3FAE]  }
0x2f: {  	lr =	sadd.s32 s0, s3;
	s0 =	sld [smem:$0x3FA5]  }
0x30: {  	s3 =	sld [smem:$0x3FA8]  }
0x31: {  	[smem:$0x3FB1] =	sst s10  }
0x32: {  	s10 =	sld [smem:$0x3FAF];
	_ =	sdelay $0x3  }
0x33: {  	p0 =	seq.s32 s10, $0x1;
	s10 =	sld [smem:$0x3FB1];
	_ =	sdelay $0x3  }
0x34: {  	[smem:$0x3FB1] =	sst s10  }
0x35: {  	s10 =	sld [smem:$0x3FB0];
	_ =	sdelay $0x3  }
0x36: {  	p1 =	seq.s32 s10, $0x1;
	s10 =	sld [smem:$0x3FB1];
	_ =	sdelay $0x3  }
0x37: {  	[smem:$0x3FB1] =	sst s10  }
0x38: {  	s10 =	sld [smem:$0x3FB2]  }
0x39: {  	_ = 	snop;
	(pc) =	sbr.ind lr, $3  }
0x3a: {  	_ = 	snop  }
0x3b: {  	_ = 	snop  }
0x3c: {  	p2 =	seq.s32 s10, $0x1;
	s10 =	sld [smem:$0x3FB1]  }
0x3d: {  	_ =	shalt  }
0x3e: {  	_ =	shalt  }
0x3f: {  	_ =	shalt  }
0x40: {  	_ =	shalt  }
0x41: {  	_ =	shalt  }
0x42: {  	_ =	shalt  }
0x43: {  	_ =	shalt  }
0x44: {  	_ =	shalt  }
0x45: {  	_ =	shalt  }
0x46: {  	_ =	shalt  }
0x47: {  	_ =	shalt  }
0x48: {  	_ =	shalt  }
0x49: {  	_ =	shalt  }
0x4a: {  	_ =	shalt  }
0x4b: {  	_ =	shalt  }
0x4c: {  	_ =	shalt  }
0x4d: {  	_ =	shalt  }
0x4e: {  	_ =	shalt  }
0x4f: {  	_ =	shalt  }
0x50: {  	_ =	shalt  }
0x51: {  	_ =	shalt  }
0x52: {  	_ =	shalt  }
0x53: {  	_ =	shalt  }
0x54: {  	_ =	shalt  }
0x55: {  	_ =	shalt  }
0x56: {  	_ =	shalt  }
0x57: {  	_ =	shalt  }
0x58: {  	_ =	shalt  }
0x59: {  	_ =	shalt  }
0x5a: {  	_ =	shalt  }
0x5b: {  	_ =	shalt  }
0x5c: {  	_ =	shalt  }
0x5d: {  	_ =	shalt  }
0x5e: {  	_ =	shalt  }
0x5f: {  	_ =	shalt  }
0x60: {  	_ =	shalt  }
0x61: {  	_ =	shalt  }
0x62: {  	_ =	shalt  }
0x63: {  	_ =	shalt  }
0x64: {  	_ =	shalt  }
0x65: {  	_ =	shalt  }
0x66: {  	_ =	shalt  }
0x67: {  	_ =	shalt  }
0x68: {  	_ =	shalt  }
0x69: {  	_ =	shalt  }
0x6a: {  	_ =	shalt  }
0x6b: {  	_ =	shalt  }
0x6c: {  	_ =	shalt  }
0x6d: {  	_ =	shalt  }
0x6e: {  	_ =	shalt  }
0x6f: {  	_ =	shalt  }
0x70: {  	_ =	shalt  }
0x71: {  	_ =	shalt  }
0x72: {  	_ =	shalt  }
0x73: {  	_ =	shalt  }
0x74: {  	_ =	shalt  }
0x75: {  	_ =	shalt  }
0x76: {  	_ =	shalt  }
0x77: {  	_ =	shalt  }
0x78: {  	_ =	shalt  }
0x79: {  	_ =	shalt  }
0x7a: {  	_ =	shalt  }
0x7b: {  	_ =	shalt  }
0x7c: {  	_ =	shalt  }
0x7d: {  	_ =	shalt  }
0x7e: {  	_ =	shalt  }
0x7f: {  	_ =	shalt  }
0x80: {  	_ =	shalt  }
0x81: {  	_ =	shalt  }
0x82: {  	_ =	shalt  }
0x83: {  	_ =	shalt  }
0x84: {  	_ =	shalt  }
0x85: {  	_ =	shalt  }
0x86: {  	_ =	shalt  }
0x87: {  	_ =	shalt  }
.Lfunc_end0:
.L_simem_size_0:
called_computation_lowered:
.L_overlay_start_0:
0x88: {  	s2 =	sld [smem:$0x3FD9]  }
0x89: {  	s3 =	sld [smem:$0x3FFE];
	_ =	sdelay $0x1  }
0x8a: {  	s1 =	srdreg.scid  }
0x8b: {  	s0 =	sand.u32 $0x1, s1  }
0x8c: {  	s16 =	sshll.u32 s0, $0xA;
	s2 =	sadd.s32 s3, s2  }
0x8d: {  	s2 =	sadd.s32 s2, s16  }
0x8e: {  	[smem:$0x3FBD] =	sst s2  }
0x8f: {  	_ = 	snop  }
0x90: {  	(tm) =	ssettm $0x1  }
0x91: {  	s17 =	sld [smem:$0x3FFB];
	_ =	sdelay $0x3  }
0x92: {  	_ =	strace s17  }
0x93: {  	s2 =	sld [smem:$0x3FFC];
	_ =	sdelay $0x3  }
0x94: {  	_ =	strace s2  }
0x95: {  	s2 =	sld [smem:$0x3FFD];
	_ =	sdelay $0x3  }
0x96: {  	_ =	strace s2  }
0x97: {  	_ =	strace $0x8FFFFFFF  }
0x98: {  	s18 =	sld [smem:$0x3FDB];
	_ =	sdelay $0x1  }
0x99: {  	s19 =	simm.s32 $_scs_section_size  }
0x9a: {  	s4 =	simm.s32 $_size__tile_overlayer_lowered;
	s5 =	simm.s32 $_tile_overlayer_lowered  }
0x9b: {  	s22 =	simm.s32 $0x1BFF;
	s21 =	sshll.u32 s5, $0x1;
	s2 =	sadd.s32 s19, s18  }
0x9c: {  	s6 =	simm.s32 $0x0;
	s20 =	sshll.u32 s4, $0x1;
	s4 =	sadd.s32 s21, s2  }
0x9d: {  	[timem:s6], [sflag:s22] =	dma.local [hbm:s4], s20  }
0x9e: {  	_ =	swait.ge [sflag:s22], s20  }
0x9f: {  	s3 =	ssub.s32 $0x0, s20;
	[sflag:s22] =	ssyncset.done $0x0  }
0xa0: {  	[sflag:s22] =	ssyncadd.s32 s3;
	_ =	sdelay $0x1  }
0xa1: {  	s23 =	simm.s32 $0x1B8B  }
0xa2: {  	_ =	swait.ge [sflag:s23], $0x1  }
0xa3: {  	[sflag:s23] =	ssyncset.done $0x0  }
0xa4: {  	s25 =	simm.s32 $0x1B8E;
	s24 =	sld [smem:$0x3FFE];
	[sflag:s23] =	ssyncadd.s32 $0xFFFFFFFF  }
0xa5: {  	s26 =	simm.s32 $execute0_lowered;
	[smem:$0x3FD2] =	sst s25  }
0xa6: {  	s4 =	sshll.u32 s26, $0x1;
	_ =	strace $0x80000046;
	[dreg:$0x1] =	wrdreg $0xFFFFFFFF  }
0xa7: {  	s28 =	simm.s32 $_size_execute0_lowered;
	s2 =	sadd.s32 s2, s4;
	[dreg:$0x0] =	wrdreg $0x0  }
0xa8: {  	s4 =	sshll.u32 s28, $0x1;
	[dreg:$0x2] =	wrdreg s2  }
0xa9: {  	[dreg:$0x3] =	wrdreg s4  }
0xaa: {  	[dreg:$0x4] =	wrdreg $0xC0  }
0xab: {  	_ =	task [dreg:s6], $0x5FFFF  }
0xac: {  	[dreg:$0x1] =	wrdreg $0xFFFFFFFF  }
0xad: {  	[dreg:$0x0] =	wrdreg $0x60  }
0xae: {  	[dreg:$0x2] =	wrdreg s24  }
0xaf: {  	[dreg:$0x3] =	wrdreg $0x9  }
0xb0: {  	_ =	task.clear_ibuf [dreg:s6], $0x4FFFF;
	_ =	strace $0x90000046  }
0xb1: {  	s29 =	simm.s32 $0x9;
	_ =	strace $0x80000048  }
0xb2: {  	_ =	swait.ge [sflag:s29], $0x1  }
0xb3: {  	[sflag:s29] =	ssyncadd.s32 $0xFFFFFFFF  }
0xb4: {  	_ =	strace $0x90000048  }
0xb5: {  	_ =	sfence  }
0xb6: {  	s30 =	sld [smem:$0x0];
	_ =	sdelay $0x2  }
0xb7: {  	s31 =	sshll.u32 s1, $0xD;
	s1 =	sshrl.u32 s1, $0x2  }
0xb8: {  	s3 =	sand.u32 $0x4000, s31;
	s1 =	sadd.s32 s1, s30  }
0xb9: {  	s0 =	sor.u32 s3, s0;
	s1 =	sshll.u32 s1, $0x11  }
0xba: {  	s0 =	sor.u32 s1, s0  }
0xbb: {  	s0 =	sadd.s32 $0x8F2B, s0  }
0xbc: {  	[sflag:s0] =	ssyncadd.remote.s32 $0x1  }
0xbd: {  	_ =	sfence.sel $0xFFFF  }
0xbe: {  	[dreg:$0x0] =	wrdreg $0xFFFFFFFF;
	(pc) =	sbr.abs _section_cstart, $3  }
0xbf: {  	[dreg:$0x1] =	wrdreg $0xFFFFFFFF  }
0xc0: {  	_ =	task.clear_ibuf [dreg:s6], $0x2FFFF;
	_ =	strace $0x9FFFFFFF  }
0xc1: {  	(tm) =	ssettm $0x7FFFFFFF  }
tec
execute0_lowered:
.L_overlay_start_1:
0x0: {  	(tag) =	ssettag $0x1  }
0x1: {  	s0 =	rddreg [dreg:$0x0];
	s2 =	simm.s32 $0x0  }
0x2: {  	s1 =	srdreg.scid;
	s4 =	stileid.u32;
	s11 =	simm.s32 $0x80  }
0x3: {  	s12 =	simm.s32 $0x1400;
	s28 =	simm.s32 $0x14400;
	s29 =	simm.s32 $0x1380  }
0x4: {  	s30 =	simm.s32 $0x14C00;
	s31 =	simm.s32 $0x1;
	s1 =	sand.u32 $0x1, s1  }
0x5: {  	s3 =	sshll.u32 s4, $0x1;
	s4 =	smul.u32 $0x2800, s4;
	[smem:$0x7FF] =	sst s2  }
0x6: {  	s9 =	sadd.s32 $0x7600, s0;
	s5 =	sor.u32 s1, s3;
	s6 =	smul.u32 $0x1400, s1  }
0x7: {  	_ =	strace $0x80000047;
	s1 =	ssub.s32 $0x2, s1;
	s5 =	smul.u32 $0x2800, s5  }
0x8: {  	s3 =	sadd.s32 $0x2600, s0;
	s21 =	sshrl.u32 s1, $0x1;
	s7 =	sadd.s32 s6, s4  }
0x9: {  	s1 =	ssub.s32 s1, s21;
	s21 =	simm.s32 $0x12C00;
	s0 =	sadd.s32 s5, s0  }
0xa: {  	s22 =	sor.u32 $0x100, s7;
	s5 =	smax.u32 s1, $0x1;
	s24 =	sor.u32 $0x80, s7  }
0xb: {  	s25 =	sshrl.u32 s7, $0x3;
	s10 =	sor.u32 $0x180, s7;
	s1 =	simm.s32 $0x0  }
0xc: {  	s4 =	sadd.s32 $0xC600, s0;
	s23 =	sshrl.u32 s22, $0x3;
	s0 =	sshrl.u32 s24, $0x3  }
0xd: {  	s8 =	sadd.s32 s25, s9;
	s26 =	sshrl.u32 s10, $0x3;
	s10 =	simm.s32 $0x2  }
0xe: {  	s22 =	simm.s32 $0x1200;
	s24 =	simm.s32 $0x1280;
	s25 =	simm.s32 $0x13C00  }
0xf: {  	s6 =	sadd.s32 s23, s9;
	s7 =	sadd.s32 s0, s9;
	s18 =	sadd.s32 s26, s9  }
0x10: {  	s23 =	simm.s32 $0x13400;
	s26 =	simm.s32 $0x1300;
	s0 =	simm.s32 $0x3  }
.LBB2_1:
0x11: {  	s9 =	simm.s32 $0x0  }
0x12: {  	s19 =	simm.s32 $0x80;
	s20 =	simm.s32 $0x100;
	s13 =	simm.s32 $0x800  }
0x13: {  	[tilespmem:s9], [sflag:$0x2] =	stream.linear.gather [hbm4b:s8+s2], $0x80, $0x38;
	[tilespmem:$0x15400] =	vst v63  }
0x14: {  	s14 =	sadd.s32 $0x40, s8;
	s15 =	sadd.s32 $0x40, s18;
	s16 =	sadd.s32 $0x40, s6  }
0x15: {  	[tilespmem:s19], [sflag:$0x2] =	stream.linear.gather [hbm4b:s7+s2], $0x80, $0x38;
	[tilespmem:$0x15400] =	vst v63  }
0x16: {  	s17 =	sadd.s32 $0x40, s7;
	s9 =	smov.u32 s18;
	s19 =	simm.s32 $0x180  }
0x17: {  	[tilespmem:s20], [sflag:$0x2] =	stream.linear.gather [hbm4b:s6+s2], $0x80, $0x38;
	[tilespmem:$0x15400] =	vst v63  }
.LBB2_2:
0x18: {  	[tilespmem:s19], [sflag:$0x2] =	stream.linear.gather [hbm4b:s9+s2], $0x80, $0x38;
	[tilespmem:$0x15400] =	vst v63  }
0x19: {  	s19 =	sshra.s32 s13, $0x2;
	p0 =	sne.s32 s13, $0x4800;
	s13 =	sadd.s32 $0x800, s13  }
0x1a: {  	[tilespmem:s19], [sflag:$0x2] =	stream.linear.gather [hbm4b:s14+s2], $0x80, $0x38;
	[tilespmem:$0x15400] =	vst v63  }
.Ltmp0:
0x1b: {  	s9 =	smov.u32 s15;
	s20 =	sadd.s32 $0x80, s19;
	(pc) =	sbr.rel @p0 .LBB2_2-.Ltmp0, $4  }
0x1c: {  	[tilespmem:s20], [sflag:$0x2] =	stream.linear.gather [hbm4b:s17+s2], $0x80, $0x38;
	[tilespmem:$0x15400] =	vst v63  }
0x1d: {  	s15 =	sadd.s32 $0x40, s15;
	s14 =	sadd.s32 $0x40, s14;
	s20 =	sadd.s32 $0x100, s19  }
0x1e: {  	[tilespmem:s20], [sflag:$0x2] =	stream.linear.gather [hbm4b:s16+s2], $0x80, $0x38;
	[tilespmem:$0x15400] =	vst v63  }
0x1f: {  	s19 =	sadd.s32 $0x180, s19;
	s17 =	sadd.s32 $0x40, s17;
	s16 =	sadd.s32 $0x40, s16  }
0x20: {  	[tilespmem:s19], [sflag:$0x2] =	stream.linear.gather [hbm4b:s9+s2], $0x80, $0x38;
	[tilespmem:$0x15400] =	vst v63  }
0x21: {  	_ =	swait.ge [sflag:s10], $0x80  }
0x22: {  	[sflag:s10] =	ssyncset.done $0x0  }
0x23: {  	[sflag:s10] =	ssyncadd.s32 $0xFFFFFF80  }
0x24: {  	_ =	swait.ge [sflag:s10], $0x80  }
0x25: {  	[sflag:s10] =	ssyncset.done $0x0  }
0x26: {  	[sflag:s10] =	ssyncadd.s32 $0xFFFFFF80  }
0x27: {  	_ =	swait.ge [sflag:s10], $0x80  }
0x28: {  	[sflag:s10] =	ssyncset.done $0x0  }
0x29: {  	[sflag:s10] =	ssyncadd.s32 $0xFFFFFF80  }
0x2a: {  	_ =	swait.ge [sflag:s10], $0x80  }
0x2b: {  	[sflag:s10] =	ssyncset.done $0x0  }
0x2c: {  	[sflag:s10] =	ssyncadd.s32 $0xFFFFFF80  }
0x2d: {  	_ =	swait.ge [sflag:s10], $0x80  }
0x2e: {  	[sflag:s10] =	ssyncset.done $0x0  }
0x2f: {  	[sflag:s10] =	ssyncadd.s32 $0xFFFFFF80  }
0x30: {  	_ =	swait.ge [sflag:s10], $0x80  }
0x31: {  	[sflag:s10] =	ssyncset.done $0x0  }
0x32: {  	[sflag:s10] =	ssyncadd.s32 $0xFFFFFF80  }
0x33: {  	_ =	swait.ge [sflag:s10], $0x80  }
0x34: {  	[sflag:s10] =	ssyncset.done $0x0  }
0x35: {  	[sflag:s10] =	ssyncadd.s32 $0xFFFFFF80  }
0x36: {  	_ =	swait.ge [sflag:s10], $0x80  }
0x37: {  	[sflag:s10] =	ssyncset.done $0x0  }
0x38: {  	[sflag:s10] =	ssyncadd.s32 $0xFFFFFF80  }
0x39: {  	_ =	swait.ge [sflag:s10], $0x80  }
0x3a: {  	[sflag:s10] =	ssyncset.done $0x0  }
0x3b: {  	[sflag:s10] =	ssyncadd.s32 $0xFFFFFF80  }
0x3c: {  	_ =	swait.ge [sflag:s10], $0x80  }
0x3d: {  	[sflag:s10] =	ssyncset.done $0x0  }
0x3e: {  	[sflag:s10] =	ssyncadd.s32 $0xFFFFFF80  }
0x3f: {  	_ =	swait.ge [sflag:s10], $0x80  }
0x40: {  	[sflag:s10] =	ssyncset.done $0x0  }
0x41: {  	[sflag:s10] =	ssyncadd.s32 $0xFFFFFF80  }
0x42: {  	_ =	swait.ge [sflag:s10], $0x80  }
0x43: {  	[sflag:s10] =	ssyncset.done $0x0  }
0x44: {  	[sflag:s10] =	ssyncadd.s32 $0xFFFFFF80  }
0x45: {  	_ =	swait.ge [sflag:s10], $0x80  }
0x46: {  	[sflag:s10] =	ssyncset.done $0x0  }
0x47: {  	[sflag:s10] =	ssyncadd.s32 $0xFFFFFF80  }
0x48: {  	_ =	swait.ge [sflag:s10], $0x80  }
0x49: {  	[sflag:s10] =	ssyncset.done $0x0  }
0x4a: {  	[sflag:s10] =	ssyncadd.s32 $0xFFFFFF80  }
0x4b: {  	_ =	swait.ge [sflag:s10], $0x80  }
0x4c: {  	[sflag:s10] =	ssyncset.done $0x0  }
0x4d: {  	[sflag:s10] =	ssyncadd.s32 $0xFFFFFF80  }
0x4e: {  	_ =	swait.ge [sflag:s10], $0x80  }
0x4f: {  	[sflag:s10] =	ssyncset.done $0x0  }
0x50: {  	[sflag:s10] =	ssyncadd.s32 $0xFFFFFF80  }
0x51: {  	_ =	swait.ge [sflag:s10], $0x80  }
0x52: {  	[sflag:s10] =	ssyncset.done $0x0  }
0x53: {  	[sflag:s10] =	ssyncadd.s32 $0xFFFFFF80  }
0x54: {  	_ =	swait.ge [sflag:s10], $0x80  }
0x55: {  	[sflag:s10] =	ssyncset.done $0x0  }
0x56: {  	[sflag:s10] =	ssyncadd.s32 $0xFFFFFF80  }
0x57: {  	_ =	swait.ge [sflag:s10], $0x80  }
0x58: {  	[sflag:s10] =	ssyncset.done $0x0  }
0x59: {  	[sflag:s10] =	ssyncadd.s32 $0xFFFFFF80  }
0x5a: {  	_ =	swait.ge [sflag:s10], $0x80  }
0x5b: {  	[sflag:s10] =	ssyncset.done $0x0  }
0x5c: {  	[sflag:s10] =	ssyncadd.s32 $0xFFFFFF80  }
0x5d: {  	_ =	swait.ge [sflag:s10], $0x80  }
0x5e: {  	[sflag:s10] =	ssyncset.done $0x0  }
0x5f: {  	[sflag:s10] =	ssyncadd.s32 $0xFFFFFF80  }
0x60: {  	_ =	swait.ge [sflag:s10], $0x80  }
0x61: {  	[sflag:s10] =	ssyncset.done $0x0  }
0x62: {  	[sflag:s10] =	ssyncadd.s32 $0xFFFFFF80  }
0x63: {  	_ =	swait.ge [sflag:s10], $0x80  }
0x64: {  	[sflag:s10] =	ssyncset.done $0x0  }
0x65: {  	[sflag:s10] =	ssyncadd.s32 $0xFFFFFF80  }
0x66: {  	_ =	swait.ge [sflag:s10], $0x80  }
0x67: {  	[sflag:s10] =	ssyncset.done $0x0  }
0x68: {  	[sflag:s10] =	ssyncadd.s32 $0xFFFFFF80  }
0x69: {  	_ =	swait.ge [sflag:s10], $0x80  }
0x6a: {  	[sflag:s10] =	ssyncset.done $0x0  }
0x6b: {  	[sflag:s10] =	ssyncadd.s32 $0xFFFFFF80  }
0x6c: {  	_ =	swait.ge [sflag:s10], $0x80  }
0x6d: {  	[sflag:s10] =	ssyncset.done $0x0  }
0x6e: {  	[sflag:s10] =	ssyncadd.s32 $0xFFFFFF80  }
0x6f: {  	_ =	swait.ge [sflag:s10], $0x80  }
0x70: {  	[sflag:s10] =	ssyncset.done $0x0  }
0x71: {  	[sflag:s10] =	ssyncadd.s32 $0xFFFFFF80  }
0x72: {  	_ =	swait.ge [sflag:s10], $0x80  }
0x73: {  	[sflag:s10] =	ssyncset.done $0x0  }
0x74: {  	[sflag:s10] =	ssyncadd.s32 $0xFFFFFF80  }
0x75: {  	_ =	swait.ge [sflag:s10], $0x80  }
0x76: {  	[sflag:s10] =	ssyncset.done $0x0  }
0x77: {  	[sflag:s10] =	ssyncadd.s32 $0xFFFFFF80  }
0x78: {  	_ =	swait.ge [sflag:s10], $0x80  }
0x79: {  	[sflag:s10] =	ssyncset.done $0x0  }
0x7a: {  	[sflag:s10] =	ssyncadd.s32 $0xFFFFFF80  }
0x7b: {  	_ =	swait.ge [sflag:s10], $0x80  }
0x7c: {  	[sflag:s10] =	ssyncset.done $0x0  }
0x7d: {  	[sflag:s10] =	ssyncadd.s32 $0xFFFFFF80  }
0x7e: {  	_ =	swait.ge [sflag:s10], $0x80  }
0x7f: {  	[sflag:s10] =	ssyncset.done $0x0  }
0x80: {  	[sflag:s10] =	ssyncadd.s32 $0xFFFFFF80  }
0x81: {  	_ =	swait.ge [sflag:s10], $0x80  }
0x82: {  	[sflag:s10] =	ssyncset.done $0x0  }
0x83: {  	[sflag:s10] =	ssyncadd.s32 $0xFFFFFF80  }
0x84: {  	_ =	swait.ge [sflag:s10], $0x80  }
0x85: {  	[sflag:s10] =	ssyncset.done $0x0  }
0x86: {  	[sflag:s10] =	ssyncadd.s32 $0xFFFFFF80  }
0x87: {  	_ =	swait.ge [sflag:s10], $0x80  }
0x88: {  	[sflag:s10] =	ssyncset.done $0x0  }
0x89: {  	[sflag:s10] =	ssyncadd.s32 $0xFFFFFF80  }
0x8a: {  	_ =	swait.ge [sflag:s10], $0x80  }
0x8b: {  	[sflag:s10] =	ssyncset.done $0x0  }
0x8c: {  	[sflag:s10] =	ssyncadd.s32 $0xFFFFFF80  }
0x8d: {  	_ =	swait.ge [sflag:s10], $0x80  }
0x8e: {  	[sflag:s10] =	ssyncset.done $0x0  }
0x8f: {  	[sflag:s10] =	ssyncadd.s32 $0xFFFFFF80  }
0x90: {  	_ =	swait.ge [sflag:s10], $0x80  }
0x91: {  	[sflag:s10] =	ssyncset.done $0x0  }
0x92: {  	[sflag:s10] =	ssyncadd.s32 $0xFFFFFF80  }
0x93: {  	_ =	swait.ge [sflag:s10], $0x80  }
0x94: {  	[sflag:s10] =	ssyncset.done $0x0  }
0x95: {  	[sflag:s10] =	ssyncadd.s32 $0xFFFFFF80  }
0x96: {  	_ =	swait.ge [sflag:s10], $0x80  }
0x97: {  	[sflag:s10] =	ssyncset.done $0x0  }
0x98: {  	[sflag:s10] =	ssyncadd.s32 $0xFFFFFF80  }
0x99: {  	[tilespmem:s12], [sflag:$0x1] =	stream.indirect.gather [hbm4b:s3+s11], $0x10, s2, s11, $0xb8;
	[tilespmem:$0x15400] =	vst v63  }
0x9a: {  	s14 =	simm.s32 $0x1C00  }
0x9b: {  	[tilespmem:s14], [sflag:$0x1] =	stream.indirect.gather [hbm4b:s3+s11], $0x10, s11, s11, $0xb8;
	[tilespmem:$0x15400] =	vst v63  }
0x9c: {  	s15 =	simm.s32 $0x100;
	s13 =	simm.s32 $0x2400  }
0x9d: {  	[tilespmem:s13], [sflag:$0x1] =	stream.indirect.gather [hbm4b:s3+s11], $0x10, s15, s11, $0xb8;
	[tilespmem:$0x15400] =	vst v63  }
0x9e: {  	s16 =	simm.s32 $0x180;
	s17 =	simm.s32 $0x2C00  }
0x9f: {  	[tilespmem:s17], [sflag:$0x1] =	stream.indirect.gather [hbm4b:s3+s11], $0x10, s16, s11, $0xb8;
	[tilespmem:$0x15400] =	vst v63  }
0xa0: {  	s19 =	simm.s32 $0x200;
	s20 =	simm.s32 $0x3400  }
0xa1: {  	[tilespmem:s20], [sflag:$0x1] =	stream.indirect.gather [hbm4b:s3+s11], $0x10, s19, s11, $0xb8;
	[tilespmem:$0x15400] =	vst v63  }
0xa2: {  	s14 =	simm.s32 $0x280;
	s15 =	simm.s32 $0x3C00  }
0xa3: {  	[tilespmem:s15], [sflag:$0x1] =	stream.indirect.gather [hbm4b:s3+s11], $0x10, s14, s11, $0xb8;
	[tilespmem:$0x15400] =	vst v63  }
0xa4: {  	s16 =	simm.s32 $0x300;
	s17 =	simm.s32 $0x4400  }
0xa5: {  	[tilespmem:s17], [sflag:$0x1] =	stream.indirect.gather [hbm4b:s3+s11], $0x10, s16, s11, $0xb8;
	[tilespmem:$0x15400] =	vst v63  }
0xa6: {  	s19 =	simm.s32 $0x380;
	s20 =	simm.s32 $0x4C00  }
0xa7: {  	[tilespmem:s20], [sflag:$0x1] =	stream.indirect.gather [hbm4b:s3+s11], $0x10, s19, s11, $0xb8;
	[tilespmem:$0x15400] =	vst v63  }
0xa8: {  	s14 =	simm.s32 $0x400;
	s15 =	simm.s32 $0x5400  }
0xa9: {  	[tilespmem:s15], [sflag:$0x1] =	stream.indirect.gather [hbm4b:s3+s11], $0x10, s14, s11, $0xb8;
	[tilespmem:$0x15400] =	vst v63  }
0xaa: {  	s16 =	simm.s32 $0x480;
	s17 =	simm.s32 $0x5C00  }
0xab: {  	[tilespmem:s17], [sflag:$0x1] =	stream.indirect.gather [hbm4b:s3+s11], $0x10, s16, s11, $0xb8;
	[tilespmem:$0x15400] =	vst v63  }
0xac: {  	s19 =	simm.s32 $0x500;
	s20 =	simm.s32 $0x6400  }
0xad: {  	[tilespmem:s20], [sflag:$0x1] =	stream.indirect.gather [hbm4b:s3+s11], $0x10, s19, s11, $0xb8;
	[tilespmem:$0x15400] =	vst v63  }
0xae: {  	s14 =	simm.s32 $0x580;
	s15 =	simm.s32 $0x6C00  }
0xaf: {  	[tilespmem:s15], [sflag:$0x1] =	stream.indirect.gather [hbm4b:s3+s11], $0x10, s14, s11, $0xb8;
	[tilespmem:$0x15400] =	vst v63  }
0xb0: {  	s16 =	simm.s32 $0x600;
	s17 =	simm.s32 $0x7400  }
0xb1: {  	[tilespmem:s17], [sflag:$0x1] =	stream.indirect.gather [hbm4b:s3+s11], $0x10, s16, s11, $0xb8;
	[tilespmem:$0x15400] =	vst v63  }
0xb2: {  	s19 =	simm.s32 $0x680;
	s20 =	simm.s32 $0x7C00  }
0xb3: {  	[tilespmem:s20], [sflag:$0x1] =	stream.indirect.gather [hbm4b:s3+s11], $0x10, s19, s11, $0xb8;
	[tilespmem:$0x15400] =	vst v63  }
0xb4: {  	s14 =	simm.s32 $0x700;
	s15 =	simm.s32 $0x8400  }
0xb5: {  	[tilespmem:s15], [sflag:$0x1] =	stream.indirect.gather [hbm4b:s3+s11], $0x10, s14, s11, $0xb8;
	[tilespmem:$0x15400] =	vst v63  }
0xb6: {  	s16 =	simm.s32 $0x780;
	s17 =	simm.s32 $0x8C00  }
0xb7: {  	[tilespmem:s17], [sflag:$0x1] =	stream.indirect.gather [hbm4b:s3+s11], $0x10, s16, s11, $0xb8;
	[tilespmem:$0x15400] =	vst v63  }
0xb8: {  	s19 =	simm.s32 $0x800;
	s20 =	simm.s32 $0x9400  }
0xb9: {  	[tilespmem:s20], [sflag:$0x1] =	stream.indirect.gather [hbm4b:s3+s11], $0x10, s19, s11, $0xb8;
	[tilespmem:$0x15400] =	vst v63  }
0xba: {  	s14 =	simm.s32 $0x880;
	s15 =	simm.s32 $0x9C00  }
0xbb: {  	[tilespmem:s15], [sflag:$0x1] =	stream.indirect.gather [hbm4b:s3+s11], $0x10, s14, s11, $0xb8;
	[tilespmem:$0x15400] =	vst v63  }
0xbc: {  	s16 =	simm.s32 $0x900;
	s17 =	simm.s32 $0xA400  }
0xbd: {  	[tilespmem:s17], [sflag:$0x1] =	stream.indirect.gather [hbm4b:s3+s11], $0x10, s16, s11, $0xb8;
	[tilespmem:$0x15400] =	vst v63  }
0xbe: {  	s19 =	simm.s32 $0x980;
	s20 =	simm.s32 $0xAC00  }
0xbf: {  	[tilespmem:s20], [sflag:$0x1] =	stream.indirect.gather [hbm4b:s3+s11], $0x10, s19, s11, $0xb8;
	[tilespmem:$0x15400] =	vst v63  }
0xc0: {  	s14 =	simm.s32 $0xA00;
	s15 =	simm.s32 $0xB400  }
0xc1: {  	[tilespmem:s15], [sflag:$0x1] =	stream.indirect.gather [hbm4b:s3+s11], $0x10, s14, s11, $0xb8;
	[tilespmem:$0x15400] =	vst v63  }
0xc2: {  	s16 =	simm.s32 $0xA80;
	s17 =	simm.s32 $0xBC00  }
0xc3: {  	[tilespmem:s17], [sflag:$0x1] =	stream.indirect.gather [hbm4b:s3+s11], $0x10, s16, s11, $0xb8;
	[tilespmem:$0x15400] =	vst v63  }
0xc4: {  	s19 =	simm.s32 $0xB00;
	s20 =	simm.s32 $0xC400  }
0xc5: {  	[tilespmem:s20], [sflag:$0x1] =	stream.indirect.gather [hbm4b:s3+s11], $0x10, s19, s11, $0xb8;
	[tilespmem:$0x15400] =	vst v63  }
0xc6: {  	s14 =	simm.s32 $0xB80;
	s15 =	simm.s32 $0xCC00  }
0xc7: {  	[tilespmem:s15], [sflag:$0x1] =	stream.indirect.gather [hbm4b:s3+s11], $0x10, s14, s11, $0xb8;
	[tilespmem:$0x15400] =	vst v63  }
0xc8: {  	s16 =	simm.s32 $0xC00;
	s17 =	simm.s32 $0xD400  }
0xc9: {  	[tilespmem:s17], [sflag:$0x1] =	stream.indirect.gather [hbm4b:s3+s11], $0x10, s16, s11, $0xb8;
	[tilespmem:$0x15400] =	vst v63  }
0xca: {  	s19 =	simm.s32 $0xC80;
	s20 =	simm.s32 $0xDC00  }
0xcb: {  	[tilespmem:s20], [sflag:$0x1] =	stream.indirect.gather [hbm4b:s3+s11], $0x10, s19, s11, $0xb8;
	[tilespmem:$0x15400] =	vst v63  }
0xcc: {  	s14 =	simm.s32 $0xD00;
	s15 =	simm.s32 $0xE400  }
0xcd: {  	[tilespmem:s15], [sflag:$0x1] =	stream.indirect.gather [hbm4b:s3+s11], $0x10, s14, s11, $0xb8;
	[tilespmem:$0x15400] =	vst v63  }
0xce: {  	s16 =	simm.s32 $0xD80;
	s17 =	simm.s32 $0xEC00  }
0xcf: {  	[tilespmem:s17], [sflag:$0x1] =	stream.indirect.gather [hbm4b:s3+s11], $0x10, s16, s11, $0xb8;
	[tilespmem:$0x15400] =	vst v63  }
0xd0: {  	s19 =	simm.s32 $0xE00;
	s20 =	simm.s32 $0xF400  }
0xd1: {  	[tilespmem:s20], [sflag:$0x1] =	stream.indirect.gather [hbm4b:s3+s11], $0x10, s19, s11, $0xb8;
	[tilespmem:$0x15400] =	vst v63  }
0xd2: {  	s14 =	simm.s32 $0xE80;
	s15 =	simm.s32 $0xFC00  }
0xd3: {  	[tilespmem:s15], [sflag:$0x1] =	stream.indirect.gather [hbm4b:s3+s11], $0x10, s14, s11, $0xb8;
	[tilespmem:$0x15400] =	vst v63  }
0xd4: {  	s16 =	simm.s32 $0xF00;
	s17 =	simm.s32 $0x10400  }
0xd5: {  	[tilespmem:s17], [sflag:$0x1] =	stream.indirect.gather [hbm4b:s3+s11], $0x10, s16, s11, $0xb8;
	[tilespmem:$0x15400] =	vst v63  }
0xd6: {  	s19 =	simm.s32 $0xF80;
	s20 =	simm.s32 $0x10C00  }
0xd7: {  	[tilespmem:s20], [sflag:$0x1] =	stream.indirect.gather [hbm4b:s3+s11], $0x10, s19, s11, $0xb8;
	[tilespmem:$0x15400] =	vst v63  }
0xd8: {  	s13 =	simm.s32 $0x1000;
	s14 =	simm.s32 $0x11400  }
0xd9: {  	[tilespmem:s14], [sflag:$0x1] =	stream.indirect.gather [hbm4b:s3+s11], $0x10, s13, s11, $0xb8;
	[tilespmem:$0x15400] =	vst v63  }
0xda: {  	s15 =	simm.s32 $0x1080;
	s16 =	simm.s32 $0x11C00  }
0xdb: {  	[tilespmem:s16], [sflag:$0x1] =	stream.indirect.gather [hbm4b:s3+s11], $0x10, s15, s11, $0xb8;
	[tilespmem:$0x15400] =	vst v63  }
0xdc: {  	s17 =	simm.s32 $0x1100;
	s19 =	simm.s32 $0x12400  }
0xdd: {  	[tilespmem:s19], [sflag:$0x1] =	stream.indirect.gather [hbm4b:s3+s11], $0x10, s17, s11, $0xb8;
	[tilespmem:$0x15400] =	vst v63  }
0xde: {  	s20 =	simm.s32 $0x1180  }
0xdf: {  	[tilespmem:s21], [sflag:$0x1] =	stream.indirect.gather [hbm4b:s3+s11], $0x10, s20, s11, $0xb8;
	[tilespmem:$0x15400] =	vst v63  }
0xe0: {  	_ = 	snop  }
0xe1: {  	[tilespmem:s23], [sflag:$0x1] =	stream.indirect.gather [hbm4b:s3+s11], $0x10, s22, s11, $0xb8;
	[tilespmem:$0x15400] =	vst v63  }
0xe2: {  	_ = 	snop  }
0xe3: {  	[tilespmem:s25], [sflag:$0x1] =	stream.indirect.gather [hbm4b:s3+s11], $0x10, s24, s11, $0xb8;
	[tilespmem:$0x15400] =	vst v63  }
0xe4: {  	_ = 	snop  }
0xe5: {  	[tilespmem:s28], [sflag:$0x1] =	stream.indirect.gather [hbm4b:s3+s11], $0x10, s26, s11, $0xb8;
	[tilespmem:$0x15400] =	vst v63  }
0xe6: {  	_ = 	snop  }
0xe7: {  	[tilespmem:s30], [sflag:$0x1] =	stream.indirect.gather [hbm4b:s3+s11], $0x10, s29, s11, $0xb8;
	[tilespmem:$0x15400] =	vst v63  }
0xe8: {  	s1 =	sadd.s32 $0x1, s1;
	_ =	swait.ge [sflag:s31], $0x14000  }
0xe9: {  	p0 =	sne.s32 s1, s5;
	[sflag:s31] =	ssyncset.done $0x0  }
.Ltmp1:
0xea: {  	[sflag:s31] =	ssyncadd.s32 $0xFFFEC000;
	(pc) =	sbr.rel @p0 .LBB2_1-.Ltmp1, $4  }
0xeb: {  	[hbm4b:s4+s2] =	stream.linear.scatter [tilespmem:s12], [sflag:$0x3], $0x14000, $0x38;
	[tilespmem:$0x15400] =	vst v63  }
0xec: {  	_ =	swait.ge [sflag:s0], $0x14000  }
0xed: {  	[sflag:s0] =	ssyncset.done $0x0  }
0xee: {  	[sflag:s0] =	ssyncadd.s32 $0xFFFEC000  }
0xef: {  	_ =	sfence.sel $0x180000  }
0xf0: {  	[bflag:$0x0] =	sbarrier.arrive $0xFFFF  }
0xf1: {  	_ =	strace $0x90000047  }
0xf2: {  	s0 =	stileid.u32;
	[bflag:$0x2] =	sbarrier.arrive $0xFFFF  }
0xf3: {  	p0 =	sne.s32 s0, $0x0;
	s0 =	rddreg [dreg:$0x1]  }
0xf4: {  	s0 =	sadd.s32 @!p0 $0x100000, s0  }
0xf5: {  	[sflag:s0] =	ssyncadd.tile.s32 @!p0 $0x1;
	_ =	shalt  }
.Lfunc_end2:
_tile_overlayer_lowered:
.L_overlay_start_2:
0xf6: {  	(tag) =	ssettag $0x2  }
0xf7: {  	s0 =	rddreg [dreg:$0x0];
	s2 =	stileid.u32  }
0xf8: {  	s1 =	rddreg [dreg:$0x1];
	p0 =	sne.s32 s2, $0x0  }
0xf9: {  	s3 =	rddreg [dreg:$0x2];
	[bflag:$0x3] =	sbarrier.arrive $0xFFFF;
	s2 =	simm.s32 @!p0 $0x1C03  }
0xfa: {  	[timem:s3], [sflag:s2] =	dma.local @!p0 [hbm:s0], s1  }
0xfb: {  	s0 =	simm.s32 @!p0 $0x3  }
0xfc: {  	_ =	swait.ge @!p0 [sflag:s0], s1  }
0xfd: {  	s1 =	ssub.s32 @!p0 $0x0, s1;
	[sflag:s0] =	ssyncset.done @!p0 $0x0  }
0xfe: {  	[sflag:s0] =	ssyncadd.s32 @!p0 s1  }
0xff: {  	[bflag:$0x3] =	sbarrier.arrive $0xFFFF  }
0x100: {  	_ =	shalt  }

</sc_bundles>
